<compile_context>
chip_gen: v7x
topology: tpu7x:2x2x1
jax: 0.10.2.dev20260603
libtpu: 0.0.44.dev20260713+nightly
codegen_flags: <defaults>
</compile_context>

<pallas_src>
import functools

import jax
import jax.numpy as jnp
from jax import lax
from jax.experimental import pallas as pl
from jax.experimental.pallas import tpu as pltpu
from jax.experimental.pallas import tpu_sc as plsc

N_NODES = 10000
N_EDGES = 320000
HIDDEN = 128

NC = 2
NS = 16
NW = NC * NS
NPAD = 10112
RPT = NPAD // NS
CHUNK = 128
NCH = 80
HALF = NCH // 2
EPW = NCH * CHUNK
EPAD = NW * EPW

_mesh = plsc.VectorSubcoreMesh(
    core_axis_name="c", subcore_axis_name="s", num_cores=NC, num_subcores=NS)


@functools.partial(
    pl.kernel,
    out_type=(jax.ShapeDtypeStruct((NPAD,), jnp.float32),
              jax.ShapeDtypeStruct((NPAD,), jnp.float32)),
    mesh=_mesh,
    scratch_types=[
        pltpu.VMEM((NCH, CHUNK), jnp.int32),
        pltpu.VMEM((CHUNK,), jnp.float32),
        pltpu.VMEM((RPT,), jnp.float32),
        pltpu.VMEM_SHARED((NPAD,), jnp.float32),
        pltpu.SemaphoreType.DMA,
    ],
)
def _deg_kernel(dst_hbm, zeros_hbm, ones_hbm, out0_hbm, out1_hbm, idx_v,
                ones_v, stage_v, deg_sh, sem):
    c = lax.axis_index("c")
    s = lax.axis_index("s")
    wid = c * NS + s
    pltpu.sync_copy(dst_hbm.at[wid], idx_v)
    pltpu.sync_copy(ones_hbm, ones_v)
    pltpu.sync_copy(zeros_hbm.at[pl.ds(s * RPT, RPT)], stage_v)
    pltpu.sync_copy(stage_v, deg_sh.at[pl.ds(s * RPT, RPT)])
    plsc.subcore_barrier()

    K = 8

    def body(g, carry):
        descs = [
            pltpu.async_copy(ones_v, deg_sh.at[idx_v.at[g * K + k]], sem,
                             add=True)
            for k in range(K)
        ]
        for d in descs:
            d.wait()
        return carry

    lax.fori_loop(0, NCH // K, body, 0)
    plsc.subcore_barrier()

    pltpu.sync_copy(deg_sh.at[pl.ds(s * RPT, RPT)], stage_v)

    @pl.when(c == 0)
    def _():
        pltpu.sync_copy(stage_v, out0_hbm.at[pl.ds(s * RPT, RPT)])

    @pl.when(c == 1)
    def _():
        pltpu.sync_copy(stage_v, out1_hbm.at[pl.ds(s * RPT, RPT)])


@functools.partial(
    pl.kernel,
    out_type=jax.ShapeDtypeStruct((NC, NPAD, HIDDEN), jnp.float32),
    mesh=_mesh,
    scratch_types=[
        pltpu.VMEM((HALF, CHUNK), jnp.int32),
        pltpu.VMEM((HALF, CHUNK), jnp.int32),
        pltpu.VMEM((CHUNK, HIDDEN), jnp.float32),
        pltpu.VMEM((CHUNK, HIDDEN), jnp.float32),
        pltpu.VMEM_SHARED((NPAD, HIDDEN), jnp.float32),
        pltpu.SemaphoreType.DMA,
        pltpu.SemaphoreType.DMA,
    ],
)
def _agg_kernel(src_hbm, dst_hbm, y_hbm, zeros_hbm, out_hbm,
                src_v, dst_v, gbuf0, gbuf1, acc_sh, sem0, sem1):
    c = lax.axis_index("c")
    s = lax.axis_index("s")
    wid = c * NS + s
    pltpu.sync_copy(zeros_hbm.at[pl.ds(s * RPT, RPT)],
                    acc_sh.at[pl.ds(s * RPT, RPT)])
    plsc.subcore_barrier()

    def half_body(h, carry):
        row0 = pl.multiple_of(h * HALF, 8)
        pltpu.sync_copy(src_hbm.at[wid, pl.ds(row0, HALF)], src_v)
        pltpu.sync_copy(dst_hbm.at[wid, pl.ds(row0, HALF)], dst_v)
        pltpu.async_copy(y_hbm.at[src_v.at[0]], gbuf0, sem0)
        pltpu.async_copy(y_hbm.at[src_v.at[1]], gbuf1, sem1)

        def body(p, carry2):
            c0 = 2 * p
            pltpu.make_async_copy(y_hbm.at[src_v.at[c0]], gbuf0, sem0).wait()
            pltpu.sync_copy(gbuf0, acc_sh.at[dst_v.at[c0]], add=True)
            pltpu.make_async_copy(y_hbm.at[src_v.at[c0 + 1]], gbuf1,
                                  sem1).wait()
            nxt = jnp.minimum(c0 + 2, HALF - 1)
            pltpu.async_copy(y_hbm.at[src_v.at[nxt]], gbuf0, sem0)
            pltpu.sync_copy(gbuf1, acc_sh.at[dst_v.at[c0 + 1]], add=True)
            nxt1 = jnp.minimum(c0 + 3, HALF - 1)
            pltpu.async_copy(y_hbm.at[src_v.at[nxt1]], gbuf1, sem1)
            return carry2

        lax.fori_loop(0, HALF // 2, body, 0)
        pltpu.make_async_copy(y_hbm.at[src_v.at[HALF - 1]], gbuf0,
                              sem0).wait()
        pltpu.make_async_copy(y_hbm.at[src_v.at[HALF - 1]], gbuf1,
                              sem1).wait()
        return carry

    lax.fori_loop(0, 2, half_body, 0)
    plsc.subcore_barrier()
    pltpu.sync_copy(acc_sh.at[pl.ds(s * RPT, RPT)],
                    out_hbm.at[c, pl.ds(s * RPT, RPT)])


def _project_body(x_ref, hist0_ref, hist1_ref, w0_ref, wih_ref, b_ref,
                  y_ref, dinv_ref):
    gates = lax.dot_general(
        w0_ref[...], wih_ref[...], (((1,), (1,)), ((), ())),
        preferred_element_type=jnp.float32) + b_ref[...]
    i = jax.nn.sigmoid(gates[:, 0 * HIDDEN:1 * HIDDEN])
    g = jnp.tanh(gates[:, 2 * HIDDEN:3 * HIDDEN])
    o = jax.nn.sigmoid(gates[:, 3 * HIDDEN:4 * HIDDEN])
    w_new = o * jnp.tanh(i * g)
    deg = (hist0_ref[...] + hist1_ref[...] + 1.0).reshape(NPAD, 1)
    dinv = lax.rsqrt(deg)
    y_ref[:N_NODES, :] = jnp.dot(x_ref[...], w_new,
                                 preferred_element_type=jnp.float32) * dinv[:N_NODES, :]
    y_ref[N_NODES:, :] = jnp.zeros((NPAD - N_NODES, HIDDEN), jnp.float32)
    dinv_ref[...] = dinv


_project = pl.pallas_call(
    _project_body,
    out_shape=(jax.ShapeDtypeStruct((NPAD, HIDDEN), jnp.float32),
               jax.ShapeDtypeStruct((NPAD, 1), jnp.float32)),
)


def _combine_body(acc_ref, y_ref, dinv_ref, out_ref):
    out_ref[...] = (acc_ref[0] + acc_ref[1] + y_ref[...]) * dinv_ref[...]


_CB = 1000

_combine = pl.pallas_call(
    _combine_body,
    grid=(N_NODES // _CB,),
    in_specs=[
        pl.BlockSpec((NC, _CB, HIDDEN), lambda i: (0, i, 0)),
        pl.BlockSpec((_CB, HIDDEN), lambda i: (i, 0)),
        pl.BlockSpec((_CB, 1), lambda i: (i, 0)),
    ],
    out_specs=pl.BlockSpec((_CB, HIDDEN), lambda i: (i, 0)),
    out_shape=jax.ShapeDtypeStruct((N_NODES, HIDDEN), jnp.float32),
)


def kernel(x, edge_index, initial_weight, W_ih, W_hh, b_ih, b_hh):
    del W_hh
    src = edge_index[0]
    dst = edge_index[1]
    npad_edges = EPAD - N_EDGES
    fill = N_NODES + (jnp.arange(npad_edges, dtype=jnp.int32) % (NPAD - N_NODES))
    src_p = jnp.concatenate([src, fill]).reshape(NW, NCH, CHUNK)
    dst_p = jnp.concatenate([dst, fill]).reshape(NW, NCH, CHUNK)

    zeros_acc = jnp.zeros((NPAD, HIDDEN), jnp.float32)
    zeros_deg = jnp.zeros((NPAD,), jnp.float32)
    ones_blk = jnp.ones((CHUNK,), jnp.float32)

    hist0, hist1 = _deg_kernel(dst_p, zeros_deg, ones_blk)
    b = (b_ih + b_hh).reshape(1, 4 * HIDDEN)
    y, dinv = _project(x, hist0, hist1, initial_weight, W_ih, b)
    accs = _agg_kernel(src_p, dst_p, y, zeros_acc)
    return _combine(accs, y, dinv)

# --- scband reference (transcript-rebuilt; emitter-appended) ---
"""Pipeline reference for scband-evolve-gcnwrapper-42803644072638 (READ-ONLY COPY).

The authoritative reference and input builder live on the scoring server;
editing this copy changes nothing except your own understanding.
"""

import jax, jax.numpy as jnp
import numpy as np

N_NODES = 10000
N_EDGES = 320000
HIDDEN = 128


def _lstm_step(W0, W_ih, W_hh, b_ih, b_hh):
    # Single LSTM step, PyTorch gate order (i, f, g, o), h0 = c0 = 0.
    # Input 'sequence' is the weight matrix itself: seq_len=1, batch=HIDDEN, feat=HIDDEN.
    gates = W0 @ W_ih.T + b_ih + b_hh  # h0 == 0 so W_hh contributes nothing in fwd (kept for fidelity of params)
    i, f, g, o = jnp.split(gates, 4, axis=-1)
    i = jax.nn.sigmoid(i)
    f = jax.nn.sigmoid(f)
    g = jnp.tanh(g)
    o = jax.nn.sigmoid(o)
    c = i * g  # f * c0 == 0
    h = o * jnp.tanh(c)
    return h


def _gcn_fixed_w(x, W, edge_index, num_nodes):
    # GCNConv_Fixed_W: X @ W, add self loops, symmetric gcn_norm, scatter-add aggregate at dst.
    xw = x @ W
    loop = jnp.arange(num_nodes, dtype=edge_index.dtype)
    src = jnp.concatenate([edge_index[0], loop])
    dst = jnp.concatenate([edge_index[1], loop])
    ew = jnp.ones(src.shape[0], dtype=xw.dtype)
    deg = jnp.zeros((num_nodes,), dtype=xw.dtype).at[dst].add(ew)
    dinv = jnp.where(deg > 0, jax.lax.rsqrt(jnp.maximum(deg, 1e-12)), 0.0)
    norm = dinv[src] * ew * dinv[dst]
    msgs = xw[src] * norm[:, None]
    out = jnp.zeros_like(xw).at[dst].add(msgs)
    return out


def setup_inputs(seed: int = 0) -> dict:
    key = jax.random.key(seed)
    ks = jax.random.split(key, 8)
    x = jax.random.normal(ks[0], (N_NODES, HIDDEN), dtype=jnp.float32)
    edge_index = jax.random.randint(ks[1], (2, N_EDGES), 0, N_NODES, dtype=jnp.int32)
    # EvolveGCN-O initial weight [in_channels, in_channels] (leading 1 squeezed)
    glorot = float(np.sqrt(6.0 / (HIDDEN + HIDDEN)))
    initial_weight = jax.random.uniform(ks[2], (HIDDEN, HIDDEN), dtype=jnp.float32, minval=-glorot, maxval=glorot)
    # LSTM(input_size=HIDDEN, hidden_size=HIDDEN) params, PyTorch layout [4H, H]
    s = float(1.0 / np.sqrt(HIDDEN))
    W_ih = jax.random.uniform(ks[3], (4 * HIDDEN, HIDDEN), dtype=jnp.float32, minval=-s, maxval=s)
    W_hh = jax.random.uniform(ks[4], (4 * HIDDEN, HIDDEN), dtype=jnp.float32, minval=-s, maxval=s)
    b_ih = jax.random.uniform(ks[5], (4 * HIDDEN,), dtype=jnp.float32, minval=-s, maxval=s)
    b_hh = jax.random.uniform(ks[6], (4 * HIDDEN,), dtype=jnp.float32, minval=-s, maxval=s)
    return {"x": x, "edge_index": edge_index, "initial_weight": initial_weight,
            "W_ih": W_ih, "W_hh": W_hh, "b_ih": b_ih, "b_hh": b_hh}


def reference(x, edge_index, initial_weight, W_ih, W_hh, b_ih, b_hh):
    # feature_projector is Identity (input_dim == hidden_dim)
    W = _lstm_step(initial_weight, W_ih, W_hh, b_ih, b_hh)
    out = _gcn_fixed_w(x, W, edge_index, N_NODES)
    return out

if __name__ == "__main__":
    import jax
    _d = setup_inputs()
    print(jax.jit(kernel)(*tuple(_d.values())))

</pallas_src>

<mosaic_0001>
#map = affine_map<(d0, d1) -> (0, 0, 0)>
#map1 = affine_map<(d0, d1) -> (0, 0)>
module attributes {stable_mosaic.version = 14 : i64} {
  func.func @_agg_kernel(%arg0: i32, %arg1: i32, %arg2: memref<32x80x128xi32, #tpu.memory_space<hbm>>, %arg3: memref<32x80x128xi32, #tpu.memory_space<hbm>>, %arg4: memref<10112x128xf32, #tpu.memory_space<hbm>>, %arg5: memref<10112x128xf32, #tpu.memory_space<hbm>>, %arg6: memref<2x10112x128xf32, #tpu.memory_space<hbm>>, %arg7: memref<40x128xi32, #tpu.memory_space<vmem>>, %arg8: memref<40x128xi32, #tpu.memory_space<vmem>>, %arg9: memref<128x128xf32, #tpu.memory_space<vmem>>, %arg10: memref<128x128xf32, #tpu.memory_space<vmem>>, %arg11: memref<10112x128xf32, #tpu.memory_space<vmem_shared>>, %arg12: memref<!tpu.dma_semaphore, #tpu.memory_space<semaphore_mem>>, %arg13: memref<!tpu.dma_semaphore, #tpu.memory_space<semaphore_mem>>) attributes {dimension_semantics = [#tpu.dimension_semantics<core_parallel>, #tpu.dimension_semantics<subcore_parallel>], iteration_bounds = array<i64: 2, 16>, scalar_prefetch = 0 : i64, scratch_operands = 7 : i64, tpu.core_type = #tpu.core_type<sc_vector_subcore>, window_params = [{transform_indices = #map}, {transform_indices = #map}, {transform_indices = #map1}, {transform_indices = #map1}, {transform_indices = #map}]} {
    %mul3A = arith.constant 16 : i32
    %mul3A_0 = arith.muli %arg0, %mul3A : i32
    %add3A = arith.addi %mul3A_0, %arg1 : i32
    %mul3A_1 = arith.constant 632 : i32
    %mul3A_2 = arith.muli %arg1, %mul3A_1 : i32
    %mul3A_3 = arith.constant 632 : i32
    %mul3A_4 = arith.muli %arg1, %mul3A_3 : i32
    "tpu.region"() ({
      %run_scoped3A = tpu.sem_alloc : memref<!tpu.dma_semaphore, #tpu.memory_space<semaphore_mem>>
      %dma_start3A = arith.constant 0 : i32
      %dma_start3A_15 = tpu.memref_slice %arg11[%mul3A_4, %dma_start3A] : memref<10112x128xf32, #tpu.memory_space<vmem_shared>> -> memref<632x128xf32, #tpu.memory_space<vmem_shared>>
      %dma_start3A_16 = arith.constant 0 : i32
      %dma_start3A_17 = tpu.memref_slice %arg5[%mul3A_2, %dma_start3A_16] : memref<10112x128xf32, #tpu.memory_space<hbm>> -> memref<632x128xf32, #tpu.memory_space<hbm>>
      tpu.enqueue_dma source(%dma_start3A_17 : memref<632x128xf32, #tpu.memory_space<hbm>>) target(%dma_start3A_15 : memref<632x128xf32, #tpu.memory_space<vmem_shared>>) target_semaphore(%run_scoped3A : memref<!tpu.dma_semaphore, #tpu.memory_space<semaphore_mem>>)
      %dma_wait3A = arith.constant 0 : i32
      %dma_wait3A_18 = tpu.memref_slice %arg11[%mul3A_4, %dma_wait3A] : memref<10112x128xf32, #tpu.memory_space<vmem_shared>> -> memref<632x128xf32, #tpu.memory_space<vmem_shared>>
      %dma_wait3A_19 = arith.constant 0 : i32
      %dma_wait3A_20 = tpu.memref_slice %arg5[%mul3A_2, %dma_wait3A_19] : memref<10112x128xf32, #tpu.memory_space<hbm>> -> memref<632x128xf32, #tpu.memory_space<hbm>>
      tpu.wait_dma2 semaphore(%run_scoped3A : memref<!tpu.dma_semaphore, #tpu.memory_space<semaphore_mem>>) src(%dma_wait3A_20 : memref<632x128xf32, #tpu.memory_space<hbm>>) dst(%dma_wait3A_18 : memref<632x128xf32, #tpu.memory_space<vmem_shared>>)
      tpu.yield
    }) : () -> ()
    %barrier3A = arith.constant 0 : index
    tpu.barrier barrier_id(%barrier3A)
    %scan3A = arith.constant 0 : i32
    %scan3A_5 = arith.constant 0 : i32
    %scan3A_6 = arith.constant 2 : i32
    %scan3A_7 = arith.addi %scan3A_5, %scan3A_6 : i32
    %scan3A_8 = arith.constant 1 : i32
    scf.for %scan3A_15 = %scan3A_5 to %scan3A_7 step %scan3A_8  : i32 {
      %mul3A_16 = arith.constant 40 : i32
      %mul3A_17 = arith.muli %scan3A_15, %mul3A_16 : i32
      %multiple_of3A = tpu.assume_multiple %mul3A_17, 8 : i32
      "tpu.region"() ({
        %run_scoped3A = tpu.sem_alloc : memref<!tpu.dma_semaphore, #tpu.memory_space<semaphore_mem>>
        %dma_start3A_50 = arith.constant 0 : i32
        %dma_start3A_51 = tpu.memref_slice %arg2[%add3A, %multiple_of3A, %dma_start3A_50] : memref<32x80x128xi32, #tpu.memory_space<hbm>> -> memref<1x40x128xi32, #tpu.memory_space<hbm>>
        %dma_start3A_52 = tpu.memref_squeeze %dma_start3A_51 : memref<1x40x128xi32, #tpu.memory_space<hbm>> -> memref<40x128xi32, #tpu.memory_space<hbm>>
        %dma_start3A_53 = arith.constant 0 : i32
        %dma_start3A_54 = tpu.memref_slice %arg2[%add3A, %multiple_of3A, %dma_start3A_53] : memref<32x80x128xi32, #tpu.memory_space<hbm>> -> memref<1x40x128xi32, #tpu.memory_space<hbm>>
        %dma_start3A_55 = tpu.memref_squeeze %dma_start3A_54 : memref<1x40x128xi32, #tpu.memory_space<hbm>> -> memref<40x128xi32, #tpu.memory_space<hbm>>
        tpu.enqueue_dma source(%dma_start3A_55 : memref<40x128xi32, #tpu.memory_space<hbm>>) target(%arg7 : memref<40x128xi32, #tpu.memory_space<vmem>>) target_semaphore(%run_scoped3A : memref<!tpu.dma_semaphore, #tpu.memory_space<semaphore_mem>>)
        %dma_wait3A_56 = arith.constant 0 : i32
        %dma_wait3A_57 = tpu.memref_slice %arg2[%add3A, %multiple_of3A, %dma_wait3A_56] : memref<32x80x128xi32, #tpu.memory_space<hbm>> -> memref<1x40x128xi32, #tpu.memory_space<hbm>>
        %dma_wait3A_58 = tpu.memref_squeeze %dma_wait3A_57 : memref<1x40x128xi32, #tpu.memory_space<hbm>> -> memref<40x128xi32, #tpu.memory_space<hbm>>
        %dma_wait3A_59 = arith.constant 0 : i32
        %dma_wait3A_60 = tpu.memref_slice %arg2[%add3A, %multiple_of3A, %dma_wait3A_59] : memref<32x80x128xi32, #tpu.memory_space<hbm>> -> memref<1x40x128xi32, #tpu.memory_space<hbm>>
        %dma_wait3A_61 = tpu.memref_squeeze %dma_wait3A_60 : memref<1x40x128xi32, #tpu.memory_space<hbm>> -> memref<40x128xi32, #tpu.memory_space<hbm>>
        tpu.wait_dma2 semaphore(%run_scoped3A : memref<!tpu.dma_semaphore, #tpu.memory_space<semaphore_mem>>) src(%dma_wait3A_61 : memref<40x128xi32, #tpu.memory_space<hbm>>) dst(%arg7 : memref<40x128xi32, #tpu.memory_space<vmem>>)
        tpu.yield
      }) : () -> ()
      "tpu.region"() ({
        %run_scoped3A = tpu.sem_alloc : memref<!tpu.dma_semaphore, #tpu.memory_space<semaphore_mem>>
        %dma_start3A_50 = arith.constant 0 : i32
        %dma_start3A_51 = tpu.memref_slice %arg3[%add3A, %multiple_of3A, %dma_start3A_50] : memref<32x80x128xi32, #tpu.memory_space<hbm>> -> memref<1x40x128xi32, #tpu.memory_space<hbm>>
        %dma_start3A_52 = tpu.memref_squeeze %dma_start3A_51 : memref<1x40x128xi32, #tpu.memory_space<hbm>> -> memref<40x128xi32, #tpu.memory_space<hbm>>
        %dma_start3A_53 = arith.constant 0 : i32
        %dma_start3A_54 = tpu.memref_slice %arg3[%add3A, %multiple_of3A, %dma_start3A_53] : memref<32x80x128xi32, #tpu.memory_space<hbm>> -> memref<1x40x128xi32, #tpu.memory_space<hbm>>
        %dma_start3A_55 = tpu.memref_squeeze %dma_start3A_54 : memref<1x40x128xi32, #tpu.memory_space<hbm>> -> memref<40x128xi32, #tpu.memory_space<hbm>>
        tpu.enqueue_dma source(%dma_start3A_55 : memref<40x128xi32, #tpu.memory_space<hbm>>) target(%arg8 : memref<40x128xi32, #tpu.memory_space<vmem>>) target_semaphore(%run_scoped3A : memref<!tpu.dma_semaphore, #tpu.memory_space<semaphore_mem>>)
        %dma_wait3A_56 = arith.constant 0 : i32
        %dma_wait3A_57 = tpu.memref_slice %arg3[%add3A, %multiple_of3A, %dma_wait3A_56] : memref<32x80x128xi32, #tpu.memory_space<hbm>> -> memref<1x40x128xi32, #tpu.memory_space<hbm>>
        %dma_wait3A_58 = tpu.memref_squeeze %dma_wait3A_57 : memref<1x40x128xi32, #tpu.memory_space<hbm>> -> memref<40x128xi32, #tpu.memory_space<hbm>>
        %dma_wait3A_59 = arith.constant 0 : i32
        %dma_wait3A_60 = tpu.memref_slice %arg3[%add3A, %multiple_of3A, %dma_wait3A_59] : memref<32x80x128xi32, #tpu.memory_space<hbm>> -> memref<1x40x128xi32, #tpu.memory_space<hbm>>
        %dma_wait3A_61 = tpu.memref_squeeze %dma_wait3A_60 : memref<1x40x128xi32, #tpu.memory_space<hbm>> -> memref<40x128xi32, #tpu.memory_space<hbm>>
        tpu.wait_dma2 semaphore(%run_scoped3A : memref<!tpu.dma_semaphore, #tpu.memory_space<semaphore_mem>>) src(%dma_wait3A_61 : memref<40x128xi32, #tpu.memory_space<hbm>>) dst(%arg8 : memref<40x128xi32, #tpu.memory_space<vmem>>)
        tpu.yield
      }) : () -> ()
      %dma_start3A = arith.constant 0 : i32
      %dma_start3A_18 = arith.constant 0 : i32
      %dma_start3A_19 = tpu.memref_slice %arg7[%dma_start3A, %dma_start3A_18] : memref<40x128xi32, #tpu.memory_space<vmem>> -> memref<1x128xi32, #tpu.memory_space<vmem>>
      %dma_start3A_20 = tpu.memref_squeeze %dma_start3A_19 : memref<1x128xi32, #tpu.memory_space<vmem>> -> memref<128xi32, #tpu.memory_space<vmem>>
      %dma_start3A_21 = arith.constant 0 : i32
      %dma_start3A_22 = arith.constant 0 : i32
      %dma_start3A_23 = tpu.memref_slice %arg4[%dma_start3A_21, %dma_start3A_22] : memref<10112x128xf32, #tpu.memory_space<hbm>> -> memref<10112x128xf32, #tpu.memory_space<hbm>>
      tpu.enqueue_indirect_dma source(%dma_start3A_23 : memref<10112x128xf32, #tpu.memory_space<hbm>>) target(%arg9 : memref<128x128xf32, #tpu.memory_space<vmem>>) offsets(%dma_start3A_20 : memref<128xi32, #tpu.memory_space<vmem>>) semaphore(%arg12 : memref<!tpu.dma_semaphore, #tpu.memory_space<semaphore_mem>>)
      %dma_start3A_24 = arith.constant 1 : i32
      %dma_start3A_25 = arith.constant 0 : i32
      %dma_start3A_26 = tpu.memref_slice %arg7[%dma_start3A_24, %dma_start3A_25] : memref<40x128xi32, #tpu.memory_space<vmem>> -> memref<1x128xi32, #tpu.memory_space<vmem>>
      %dma_start3A_27 = tpu.memref_squeeze %dma_start3A_26 : memref<1x128xi32, #tpu.memory_space<vmem>> -> memref<128xi32, #tpu.memory_space<vmem>>
      %dma_start3A_28 = arith.constant 0 : i32
      %dma_start3A_29 = arith.constant 0 : i32
      %dma_start3A_30 = tpu.memref_slice %arg4[%dma_start3A_28, %dma_start3A_29] : memref<10112x128xf32, #tpu.memory_space<hbm>> -> memref<10112x128xf32, #tpu.memory_space<hbm>>
      tpu.enqueue_indirect_dma source(%dma_start3A_30 : memref<10112x128xf32, #tpu.memory_space<hbm>>) target(%arg10 : memref<128x128xf32, #tpu.memory_space<vmem>>) offsets(%dma_start3A_27 : memref<128xi32, #tpu.memory_space<vmem>>) semaphore(%arg13 : memref<!tpu.dma_semaphore, #tpu.memory_space<semaphore_mem>>)
      %scan3A_31 = arith.constant 0 : i32
      %scan3A_32 = arith.constant 0 : i32
      %scan3A_33 = arith.constant 20 : i32
      %scan3A_34 = arith.addi %scan3A_32, %scan3A_33 : i32
      %scan3A_35 = arith.constant 1 : i32
      scf.for %scan3A_50 = %scan3A_32 to %scan3A_34 step %scan3A_35  : i32 {
        %mul3A_51 = arith.constant 2 : i32
        %mul3A_52 = arith.muli %mul3A_51, %scan3A_50 : i32
        %dma_wait3A_53 = arith.constant 0 : i32
        %dma_wait3A_54 = tpu.memref_slice %arg7[%mul3A_52, %dma_wait3A_53] : memref<40x128xi32, #tpu.memory_space<vmem>> -> memref<1x128xi32, #tpu.memory_space<vmem>>
        %dma_wait3A_55 = tpu.memref_squeeze %dma_wait3A_54 : memref<1x128xi32, #tpu.memory_space<vmem>> -> memref<128xi32, #tpu.memory_space<vmem>>
        %dma_wait3A_56 = arith.constant 0 : i32
        %dma_wait3A_57 = arith.constant 0 : i32
        %dma_wait3A_58 = tpu.memref_slice %arg4[%dma_wait3A_56, %dma_wait3A_57] : memref<10112x128xf32, #tpu.memory_space<hbm>> -> memref<10112x128xf32, #tpu.memory_space<hbm>>
        tpu.wait_indirect_dma semaphore(%arg12 : memref<!tpu.dma_semaphore, #tpu.memory_space<semaphore_mem>>) src(%dma_wait3A_58 : memref<10112x128xf32, #tpu.memory_space<hbm>>) dst(%arg9 : memref<128x128xf32, #tpu.memory_space<vmem>>)
        "tpu.region"() ({
          %run_scoped3A = tpu.sem_alloc : memref<!tpu.dma_semaphore, #tpu.memory_space<semaphore_mem>>
          %dma_start3A_88 = arith.constant 0 : i32
          %dma_start3A_89 = tpu.memref_slice %arg8[%mul3A_52, %dma_start3A_88] : memref<40x128xi32, #tpu.memory_space<vmem>> -> memref<1x128xi32, #tpu.memory_space<vmem>>
          %dma_start3A_90 = tpu.memref_squeeze %dma_start3A_89 : memref<1x128xi32, #tpu.memory_space<vmem>> -> memref<128xi32, #tpu.memory_space<vmem>>
          %dma_start3A_91 = arith.constant 0 : i32
          %dma_start3A_92 = arith.constant 0 : i32
          %dma_start3A_93 = tpu.memref_slice %arg11[%dma_start3A_91, %dma_start3A_92] : memref<10112x128xf32, #tpu.memory_space<vmem_shared>> -> memref<10112x128xf32, #tpu.memory_space<vmem_shared>>
          tpu.enqueue_indirect_dma source(%arg9 : memref<128x128xf32, #tpu.memory_space<vmem>>) target(%dma_start3A_93 : memref<10112x128xf32, #tpu.memory_space<vmem_shared>>) offsets(%dma_start3A_90 : memref<128xi32, #tpu.memory_space<vmem>>) semaphore(%run_scoped3A : memref<!tpu.dma_semaphore, #tpu.memory_space<semaphore_mem>>) {add = true}
          %dma_wait3A_94 = arith.constant 0 : i32
          %dma_wait3A_95 = tpu.memref_slice %arg8[%mul3A_52, %dma_wait3A_94] : memref<40x128xi32, #tpu.memory_space<vmem>> -> memref<1x128xi32, #tpu.memory_space<vmem>>
          %dma_wait3A_96 = tpu.memref_squeeze %dma_wait3A_95 : memref<1x128xi32, #tpu.memory_space<vmem>> -> memref<128xi32, #tpu.memory_space<vmem>>
          %dma_wait3A_97 = arith.constant 0 : i32
          %dma_wait3A_98 = arith.constant 0 : i32
          %dma_wait3A_99 = tpu.memref_slice %arg11[%dma_wait3A_97, %dma_wait3A_98] : memref<10112x128xf32, #tpu.memory_space<vmem_shared>> -> memref<10112x128xf32, #tpu.memory_space<vmem_shared>>
          tpu.wait_indirect_dma semaphore(%run_scoped3A : memref<!tpu.dma_semaphore, #tpu.memory_space<semaphore_mem>>) src(%arg9 : memref<128x128xf32, #tpu.memory_space<vmem>>) dst(%dma_wait3A_99 : memref<10112x128xf32, #tpu.memory_space<vmem_shared>>)
          tpu.yield
        }) : () -> ()
        %add3A_59 = arith.constant 1 : i32
        %add3A_60 = arith.addi %mul3A_52, %add3A_59 : i32
        %dma_wait3A_61 = arith.constant 0 : i32
        %dma_wait3A_62 = tpu.memref_slice %arg7[%add3A_60, %dma_wait3A_61] : memref<40x128xi32, #tpu.memory_space<vmem>> -> memref<1x128xi32, #tpu.memory_space<vmem>>
        %dma_wait3A_63 = tpu.memref_squeeze %dma_wait3A_62 : memref<1x128xi32, #tpu.memory_space<vmem>> -> memref<128xi32, #tpu.memory_space<vmem>>
        %dma_wait3A_64 = arith.constant 0 : i32
        %dma_wait3A_65 = arith.constant 0 : i32
        %dma_wait3A_66 = tpu.memref_slice %arg4[%dma_wait3A_64, %dma_wait3A_65] : memref<10112x128xf32, #tpu.memory_space<hbm>> -> memref<10112x128xf32, #tpu.memory_space<hbm>>
        tpu.wait_indirect_dma semaphore(%arg13 : memref<!tpu.dma_semaphore, #tpu.memory_space<semaphore_mem>>) src(%dma_wait3A_66 : memref<10112x128xf32, #tpu.memory_space<hbm>>) dst(%arg10 : memref<128x128xf32, #tpu.memory_space<vmem>>)
        %add3A_67 = arith.constant 2 : i32
        %add3A_68 = arith.addi %mul3A_52, %add3A_67 : i32
        %min3A = arith.constant 39 : i32
        %min3A_69 = arith.minsi %add3A_68, %min3A : i32
        %dma_start3A_70 = arith.constant 0 : i32
        %dma_start3A_71 = tpu.memref_slice %arg7[%min3A_69, %dma_start3A_70] : memref<40x128xi32, #tpu.memory_space<vmem>> -> memref<1x128xi32, #tpu.memory_space<vmem>>
        %dma_start3A_72 = tpu.memref_squeeze %dma_start3A_71 : memref<1x128xi32, #tpu.memory_space<vmem>> -> memref<128xi32, #tpu.memory_space<vmem>>
        %dma_start3A_73 = arith.constant 0 : i32
        %dma_start3A_74 = arith.constant 0 : i32
        %dma_start3A_75 = tpu.memref_slice %arg4[%dma_start3A_73, %dma_start3A_74] : memref<10112x128xf32, #tpu.memory_space<hbm>> -> memref<10112x128xf32, #tpu.memory_space<hbm>>
        tpu.enqueue_indirect_dma source(%dma_start3A_75 : memref<10112x128xf32, #tpu.memory_space<hbm>>) target(%arg9 : memref<128x128xf32, #tpu.memory_space<vmem>>) offsets(%dma_start3A_72 : memref<128xi32, #tpu.memory_space<vmem>>) semaphore(%arg12 : memref<!tpu.dma_semaphore, #tpu.memory_space<semaphore_mem>>)
        %add3A_76 = arith.constant 1 : i32
        %add3A_77 = arith.addi %mul3A_52, %add3A_76 : i32
        "tpu.region"() ({
          %run_scoped3A = tpu.sem_alloc : memref<!tpu.dma_semaphore, #tpu.memory_space<semaphore_mem>>
          %dma_start3A_88 = arith.constant 0 : i32
          %dma_start3A_89 = tpu.memref_slice %arg8[%add3A_77, %dma_start3A_88] : memref<40x128xi32, #tpu.memory_space<vmem>> -> memref<1x128xi32, #tpu.memory_space<vmem>>
          %dma_start3A_90 = tpu.memref_squeeze %dma_start3A_89 : memref<1x128xi32, #tpu.memory_space<vmem>> -> memref<128xi32, #tpu.memory_space<vmem>>
          %dma_start3A_91 = arith.constant 0 : i32
          %dma_start3A_92 = arith.constant 0 : i32
          %dma_start3A_93 = tpu.memref_slice %arg11[%dma_start3A_91, %dma_start3A_92] : memref<10112x128xf32, #tpu.memory_space<vmem_shared>> -> memref<10112x128xf32, #tpu.memory_space<vmem_shared>>
          tpu.enqueue_indirect_dma source(%arg10 : memref<128x128xf32, #tpu.memory_space<vmem>>) target(%dma_start3A_93 : memref<10112x128xf32, #tpu.memory_space<vmem_shared>>) offsets(%dma_start3A_90 : memref<128xi32, #tpu.memory_space<vmem>>) semaphore(%run_scoped3A : memref<!tpu.dma_semaphore, #tpu.memory_space<semaphore_mem>>) {add = true}
          %dma_wait3A_94 = arith.constant 0 : i32
          %dma_wait3A_95 = tpu.memref_slice %arg8[%add3A_77, %dma_wait3A_94] : memref<40x128xi32, #tpu.memory_space<vmem>> -> memref<1x128xi32, #tpu.memory_space<vmem>>
          %dma_wait3A_96 = tpu.memref_squeeze %dma_wait3A_95 : memref<1x128xi32, #tpu.memory_space<vmem>> -> memref<128xi32, #tpu.memory_space<vmem>>
          %dma_wait3A_97 = arith.constant 0 : i32
          %dma_wait3A_98 = arith.constant 0 : i32
          %dma_wait3A_99 = tpu.memref_slice %arg11[%dma_wait3A_97, %dma_wait3A_98] : memref<10112x128xf32, #tpu.memory_space<vmem_shared>> -> memref<10112x128xf32, #tpu.memory_space<vmem_shared>>
          tpu.wait_indirect_dma semaphore(%run_scoped3A : memref<!tpu.dma_semaphore, #tpu.memory_space<semaphore_mem>>) src(%arg10 : memref<128x128xf32, #tpu.memory_space<vmem>>) dst(%dma_wait3A_99 : memref<10112x128xf32, #tpu.memory_space<vmem_shared>>)
          tpu.yield
        }) : () -> ()
        %add3A_78 = arith.constant 3 : i32
        %add3A_79 = arith.addi %mul3A_52, %add3A_78 : i32
        %min3A_80 = arith.constant 39 : i32
        %min3A_81 = arith.minsi %add3A_79, %min3A_80 : i32
        %dma_start3A_82 = arith.constant 0 : i32
        %dma_start3A_83 = tpu.memref_slice %arg7[%min3A_81, %dma_start3A_82] : memref<40x128xi32, #tpu.memory_space<vmem>> -> memref<1x128xi32, #tpu.memory_space<vmem>>
        %dma_start3A_84 = tpu.memref_squeeze %dma_start3A_83 : memref<1x128xi32, #tpu.memory_space<vmem>> -> memref<128xi32, #tpu.memory_space<vmem>>
        %dma_start3A_85 = arith.constant 0 : i32
        %dma_start3A_86 = arith.constant 0 : i32
        %dma_start3A_87 = tpu.memref_slice %arg4[%dma_start3A_85, %dma_start3A_86] : memref<10112x128xf32, #tpu.memory_space<hbm>> -> memref<10112x128xf32, #tpu.memory_space<hbm>>
        tpu.enqueue_indirect_dma source(%dma_start3A_87 : memref<10112x128xf32, #tpu.memory_space<hbm>>) target(%arg10 : memref<128x128xf32, #tpu.memory_space<vmem>>) offsets(%dma_start3A_84 : memref<128xi32, #tpu.memory_space<vmem>>) semaphore(%arg13 : memref<!tpu.dma_semaphore, #tpu.memory_space<semaphore_mem>>)
      }
      %scan3A_36 = arith.constant 20 : i32
      %dma_wait3A = arith.constant 39 : i32
      %dma_wait3A_37 = arith.constant 0 : i32
      %dma_wait3A_38 = tpu.memref_slice %arg7[%dma_wait3A, %dma_wait3A_37] : memref<40x128xi32, #tpu.memory_space<vmem>> -> memref<1x128xi32, #tpu.memory_space<vmem>>
      %dma_wait3A_39 = tpu.memref_squeeze %dma_wait3A_38 : memref<1x128xi32, #tpu.memory_space<vmem>> -> memref<128xi32, #tpu.memory_space<vmem>>
      %dma_wait3A_40 = arith.constant 0 : i32
      %dma_wait3A_41 = arith.constant 0 : i32
      %dma_wait3A_42 = tpu.memref_slice %arg4[%dma_wait3A_40, %dma_wait3A_41] : memref<10112x128xf32, #tpu.memory_space<hbm>> -> memref<10112x128xf32, #tpu.memory_space<hbm>>
      tpu.wait_indirect_dma semaphore(%arg12 : memref<!tpu.dma_semaphore, #tpu.memory_space<semaphore_mem>>) src(%dma_wait3A_42 : memref<10112x128xf32, #tpu.memory_space<hbm>>) dst(%arg9 : memref<128x128xf32, #tpu.memory_space<vmem>>)
      %dma_wait3A_43 = arith.constant 39 : i32
      %dma_wait3A_44 = arith.constant 0 : i32
      %dma_wait3A_45 = tpu.memref_slice %arg7[%dma_wait3A_43, %dma_wait3A_44] : memref<40x128xi32, #tpu.memory_space<vmem>> -> memref<1x128xi32, #tpu.memory_space<vmem>>
      %dma_wait3A_46 = tpu.memref_squeeze %dma_wait3A_45 : memref<1x128xi32, #tpu.memory_space<vmem>> -> memref<128xi32, #tpu.memory_space<vmem>>
      %dma_wait3A_47 = arith.constant 0 : i32
      %dma_wait3A_48 = arith.constant 0 : i32
      %dma_wait3A_49 = tpu.memref_slice %arg4[%dma_wait3A_47, %dma_wait3A_48] : memref<10112x128xf32, #tpu.memory_space<hbm>> -> memref<10112x128xf32, #tpu.memory_space<hbm>>
      tpu.wait_indirect_dma semaphore(%arg13 : memref<!tpu.dma_semaphore, #tpu.memory_space<semaphore_mem>>) src(%dma_wait3A_49 : memref<10112x128xf32, #tpu.memory_space<hbm>>) dst(%arg10 : memref<128x128xf32, #tpu.memory_space<vmem>>)
    }
    %scan3A_9 = arith.constant 2 : i32
    %barrier3A_10 = arith.constant 0 : index
    tpu.barrier barrier_id(%barrier3A_10)
    %mul3A_11 = arith.constant 632 : i32
    %mul3A_12 = arith.muli %arg1, %mul3A_11 : i32
    %mul3A_13 = arith.constant 632 : i32
    %mul3A_14 = arith.muli %arg1, %mul3A_13 : i32
    "tpu.region"() ({
      %run_scoped3A = tpu.sem_alloc : memref<!tpu.dma_semaphore, #tpu.memory_space<semaphore_mem>>
      %dma_start3A = arith.constant 0 : i32
      %dma_start3A_15 = tpu.memref_slice %arg6[%arg0, %mul3A_14, %dma_start3A] : memref<2x10112x128xf32, #tpu.memory_space<hbm>> -> memref<1x632x128xf32, #tpu.memory_space<hbm>>
      %dma_start3A_16 = tpu.memref_squeeze %dma_start3A_15 : memref<1x632x128xf32, #tpu.memory_space<hbm>> -> memref<632x128xf32, #tpu.memory_space<hbm>>
      %dma_start3A_17 = arith.constant 0 : i32
      %dma_start3A_18 = tpu.memref_slice %arg11[%mul3A_12, %dma_start3A_17] : memref<10112x128xf32, #tpu.memory_space<vmem_shared>> -> memref<632x128xf32, #tpu.memory_space<vmem_shared>>
      tpu.enqueue_dma source(%dma_start3A_18 : memref<632x128xf32, #tpu.memory_space<vmem_shared>>) target(%dma_start3A_16 : memref<632x128xf32, #tpu.memory_space<hbm>>) target_semaphore(%run_scoped3A : memref<!tpu.dma_semaphore, #tpu.memory_space<semaphore_mem>>)
      %dma_wait3A = arith.constant 0 : i32
      %dma_wait3A_19 = tpu.memref_slice %arg6[%arg0, %mul3A_14, %dma_wait3A] : memref<2x10112x128xf32, #tpu.memory_space<hbm>> -> memref<1x632x128xf32, #tpu.memory_space<hbm>>
      %dma_wait3A_20 = tpu.memref_squeeze %dma_wait3A_19 : memref<1x632x128xf32, #tpu.memory_space<hbm>> -> memref<632x128xf32, #tpu.memory_space<hbm>>
      %dma_wait3A_21 = arith.constant 0 : i32
      %dma_wait3A_22 = tpu.memref_slice %arg11[%mul3A_12, %dma_wait3A_21] : memref<10112x128xf32, #tpu.memory_space<vmem_shared>> -> memref<632x128xf32, #tpu.memory_space<vmem_shared>>
      tpu.wait_dma2 semaphore(%run_scoped3A : memref<!tpu.dma_semaphore, #tpu.memory_space<semaphore_mem>>) src(%dma_wait3A_22 : memref<632x128xf32, #tpu.memory_space<vmem_shared>>) dst(%dma_wait3A_20 : memref<632x128xf32, #tpu.memory_space<hbm>>)
      tpu.yield
    }) : () -> ()
    return
  }
}

#map = affine_map<(d0, d1) -> (0, 0, 0)>
#map1 = affine_map<(d0, d1) -> (0)>
module attributes {stable_mosaic.version = 14 : i64} {
  func.func @_deg_kernel(%arg0: i32, %arg1: i32, %arg2: memref<32x80x128xi32, #tpu.memory_space<hbm>>, %arg3: memref<10112xf32, #tpu.memory_space<hbm>>, %arg4: memref<128xf32, #tpu.memory_space<hbm>>, %arg5: memref<10112xf32, #tpu.memory_space<hbm>>, %arg6: memref<10112xf32, #tpu.memory_space<hbm>>, %arg7: memref<80x128xi32, #tpu.memory_space<vmem>>, %arg8: memref<128xf32, #tpu.memory_space<vmem>>, %arg9: memref<632xf32, #tpu.memory_space<vmem>>, %arg10: memref<10112xf32, #tpu.memory_space<vmem_shared>>, %arg11: memref<!tpu.dma_semaphore, #tpu.memory_space<semaphore_mem>>) attributes {dimension_semantics = [#tpu.dimension_semantics<core_parallel>, #tpu.dimension_semantics<subcore_parallel>], iteration_bounds = array<i64: 2, 16>, scalar_prefetch = 0 : i64, scratch_operands = 5 : i64, tpu.core_type = #tpu.core_type<sc_vector_subcore>, window_params = [{transform_indices = #map}, {transform_indices = #map1}, {transform_indices = #map1}, {transform_indices = #map1}, {transform_indices = #map1}]} {
    %mul3A = arith.constant 16 : i32
    %mul3A_0 = arith.muli %arg0, %mul3A : i32
    %add3A = arith.addi %mul3A_0, %arg1 : i32
    "tpu.region"() ({
      %run_scoped3A = tpu.sem_alloc : memref<!tpu.dma_semaphore, #tpu.memory_space<semaphore_mem>>
      %dma_start3A = arith.constant 0 : i32
      %dma_start3A_20 = arith.constant 0 : i32
      %dma_start3A_21 = tpu.memref_slice %arg2[%add3A, %dma_start3A, %dma_start3A_20] : memref<32x80x128xi32, #tpu.memory_space<hbm>> -> memref<1x80x128xi32, #tpu.memory_space<hbm>>
      %dma_start3A_22 = tpu.memref_squeeze %dma_start3A_21 : memref<1x80x128xi32, #tpu.memory_space<hbm>> -> memref<80x128xi32, #tpu.memory_space<hbm>>
      %dma_start3A_23 = arith.constant 0 : i32
      %dma_start3A_24 = arith.constant 0 : i32
      %dma_start3A_25 = tpu.memref_slice %arg2[%add3A, %dma_start3A_23, %dma_start3A_24] : memref<32x80x128xi32, #tpu.memory_space<hbm>> -> memref<1x80x128xi32, #tpu.memory_space<hbm>>
      %dma_start3A_26 = tpu.memref_squeeze %dma_start3A_25 : memref<1x80x128xi32, #tpu.memory_space<hbm>> -> memref<80x128xi32, #tpu.memory_space<hbm>>
      tpu.enqueue_dma source(%dma_start3A_26 : memref<80x128xi32, #tpu.memory_space<hbm>>) target(%arg7 : memref<80x128xi32, #tpu.memory_space<vmem>>) target_semaphore(%run_scoped3A : memref<!tpu.dma_semaphore, #tpu.memory_space<semaphore_mem>>)
      %dma_wait3A = arith.constant 0 : i32
      %dma_wait3A_27 = arith.constant 0 : i32
      %dma_wait3A_28 = tpu.memref_slice %arg2[%add3A, %dma_wait3A, %dma_wait3A_27] : memref<32x80x128xi32, #tpu.memory_space<hbm>> -> memref<1x80x128xi32, #tpu.memory_space<hbm>>
      %dma_wait3A_29 = tpu.memref_squeeze %dma_wait3A_28 : memref<1x80x128xi32, #tpu.memory_space<hbm>> -> memref<80x128xi32, #tpu.memory_space<hbm>>
      %dma_wait3A_30 = arith.constant 0 : i32
      %dma_wait3A_31 = arith.constant 0 : i32
      %dma_wait3A_32 = tpu.memref_slice %arg2[%add3A, %dma_wait3A_30, %dma_wait3A_31] : memref<32x80x128xi32, #tpu.memory_space<hbm>> -> memref<1x80x128xi32, #tpu.memory_space<hbm>>
      %dma_wait3A_33 = tpu.memref_squeeze %dma_wait3A_32 : memref<1x80x128xi32, #tpu.memory_space<hbm>> -> memref<80x128xi32, #tpu.memory_space<hbm>>
      tpu.wait_dma2 semaphore(%run_scoped3A : memref<!tpu.dma_semaphore, #tpu.memory_space<semaphore_mem>>) src(%dma_wait3A_33 : memref<80x128xi32, #tpu.memory_space<hbm>>) dst(%arg7 : memref<80x128xi32, #tpu.memory_space<vmem>>)
      tpu.yield
    }) : () -> ()
    "tpu.region"() ({
      %run_scoped3A = tpu.sem_alloc : memref<!tpu.dma_semaphore, #tpu.memory_space<semaphore_mem>>
      tpu.enqueue_dma source(%arg4 : memref<128xf32, #tpu.memory_space<hbm>>) target(%arg8 : memref<128xf32, #tpu.memory_space<vmem>>) target_semaphore(%run_scoped3A : memref<!tpu.dma_semaphore, #tpu.memory_space<semaphore_mem>>)
      tpu.wait_dma2 semaphore(%run_scoped3A : memref<!tpu.dma_semaphore, #tpu.memory_space<semaphore_mem>>) src(%arg4 : memref<128xf32, #tpu.memory_space<hbm>>) dst(%arg8 : memref<128xf32, #tpu.memory_space<vmem>>)
      tpu.yield
    }) : () -> ()
    %mul3A_1 = arith.constant 632 : i32
    %mul3A_2 = arith.muli %arg1, %mul3A_1 : i32
    "tpu.region"() ({
      %run_scoped3A = tpu.sem_alloc : memref<!tpu.dma_semaphore, #tpu.memory_space<semaphore_mem>>
      %dma_start3A = tpu.memref_slice %arg3[%mul3A_2] : memref<10112xf32, #tpu.memory_space<hbm>> -> memref<632xf32, #tpu.memory_space<hbm>>
      %dma_start3A_20 = tpu.memref_slice %arg3[%mul3A_2] : memref<10112xf32, #tpu.memory_space<hbm>> -> memref<632xf32, #tpu.memory_space<hbm>>
      tpu.enqueue_dma source(%dma_start3A_20 : memref<632xf32, #tpu.memory_space<hbm>>) target(%arg9 : memref<632xf32, #tpu.memory_space<vmem>>) target_semaphore(%run_scoped3A : memref<!tpu.dma_semaphore, #tpu.memory_space<semaphore_mem>>)
      %dma_wait3A = tpu.memref_slice %arg3[%mul3A_2] : memref<10112xf32, #tpu.memory_space<hbm>> -> memref<632xf32, #tpu.memory_space<hbm>>
      %dma_wait3A_21 = tpu.memref_slice %arg3[%mul3A_2] : memref<10112xf32, #tpu.memory_space<hbm>> -> memref<632xf32, #tpu.memory_space<hbm>>
      tpu.wait_dma2 semaphore(%run_scoped3A : memref<!tpu.dma_semaphore, #tpu.memory_space<semaphore_mem>>) src(%dma_wait3A_21 : memref<632xf32, #tpu.memory_space<hbm>>) dst(%arg9 : memref<632xf32, #tpu.memory_space<vmem>>)
      tpu.yield
    }) : () -> ()
    %mul3A_3 = arith.constant 632 : i32
    %mul3A_4 = arith.muli %arg1, %mul3A_3 : i32
    "tpu.region"() ({
      %run_scoped3A = tpu.sem_alloc : memref<!tpu.dma_semaphore, #tpu.memory_space<semaphore_mem>>
      %dma_start3A = tpu.memref_slice %arg10[%mul3A_4] : memref<10112xf32, #tpu.memory_space<vmem_shared>> -> memref<632xf32, #tpu.memory_space<vmem_shared>>
      %dma_start3A_20 = tpu.memref_slice %arg10[%mul3A_4] : memref<10112xf32, #tpu.memory_space<vmem_shared>> -> memref<632xf32, #tpu.memory_space<vmem_shared>>
      tpu.enqueue_dma source(%arg9 : memref<632xf32, #tpu.memory_space<vmem>>) target(%dma_start3A_20 : memref<632xf32, #tpu.memory_space<vmem_shared>>) target_semaphore(%run_scoped3A : memref<!tpu.dma_semaphore, #tpu.memory_space<semaphore_mem>>)
      %dma_wait3A = tpu.memref_slice %arg10[%mul3A_4] : memref<10112xf32, #tpu.memory_space<vmem_shared>> -> memref<632xf32, #tpu.memory_space<vmem_shared>>
      %dma_wait3A_21 = tpu.memref_slice %arg10[%mul3A_4] : memref<10112xf32, #tpu.memory_space<vmem_shared>> -> memref<632xf32, #tpu.memory_space<vmem_shared>>
      tpu.wait_dma2 semaphore(%run_scoped3A : memref<!tpu.dma_semaphore, #tpu.memory_space<semaphore_mem>>) src(%arg9 : memref<632xf32, #tpu.memory_space<vmem>>) dst(%dma_wait3A_21 : memref<632xf32, #tpu.memory_space<vmem_shared>>)
      tpu.yield
    }) : () -> ()
    %barrier3A = arith.constant 0 : index
    tpu.barrier barrier_id(%barrier3A)
    %scan3A = arith.constant 0 : i32
    %scan3A_5 = arith.constant 0 : i32
    %scan3A_6 = arith.constant 10 : i32
    %scan3A_7 = arith.addi %scan3A_5, %scan3A_6 : i32
    %scan3A_8 = arith.constant 1 : i32
    scf.for %scan3A_20 = %scan3A_5 to %scan3A_7 step %scan3A_8  : i32 {
      %mul3A_21 = arith.constant 8 : i32
      %mul3A_22 = arith.muli %scan3A_20, %mul3A_21 : i32
      %add3A_23 = arith.constant 0 : i32
      %add3A_24 = arith.addi %mul3A_22, %add3A_23 : i32
      %dma_start3A = arith.constant 0 : i32
      %dma_start3A_25 = tpu.memref_slice %arg7[%add3A_24, %dma_start3A] : memref<80x128xi32, #tpu.memory_space<vmem>> -> memref<1x128xi32, #tpu.memory_space<vmem>>
      %dma_start3A_26 = tpu.memref_squeeze %dma_start3A_25 : memref<1x128xi32, #tpu.memory_space<vmem>> -> memref<128xi32, #tpu.memory_space<vmem>>
      %dma_start3A_27 = arith.constant 0 : i32
      %dma_start3A_28 = tpu.memref_slice %arg10[%dma_start3A_27] : memref<10112xf32, #tpu.memory_space<vmem_shared>> -> memref<10112xf32, #tpu.memory_space<vmem_shared>>
      tpu.enqueue_indirect_dma source(%arg8 : memref<128xf32, #tpu.memory_space<vmem>>) target(%dma_start3A_28 : memref<10112xf32, #tpu.memory_space<vmem_shared>>) offsets(%dma_start3A_26 : memref<128xi32, #tpu.memory_space<vmem>>) semaphore(%arg11 : memref<!tpu.dma_semaphore, #tpu.memory_space<semaphore_mem>>) {add = true}
      %mul3A_29 = arith.constant 8 : i32
      %mul3A_30 = arith.muli %scan3A_20, %mul3A_29 : i32
      %add3A_31 = arith.constant 1 : i32
      %add3A_32 = arith.addi %mul3A_30, %add3A_31 : i32
      %dma_start3A_33 = arith.constant 0 : i32
      %dma_start3A_34 = tpu.memref_slice %arg7[%add3A_32, %dma_start3A_33] : memref<80x128xi32, #tpu.memory_space<vmem>> -> memref<1x128xi32, #tpu.memory_space<vmem>>
      %dma_start3A_35 = tpu.memref_squeeze %dma_start3A_34 : memref<1x128xi32, #tpu.memory_space<vmem>> -> memref<128xi32, #tpu.memory_space<vmem>>
      %dma_start3A_36 = arith.constant 0 : i32
      %dma_start3A_37 = tpu.memref_slice %arg10[%dma_start3A_36] : memref<10112xf32, #tpu.memory_space<vmem_shared>> -> memref<10112xf32, #tpu.memory_space<vmem_shared>>
      tpu.enqueue_indirect_dma source(%arg8 : memref<128xf32, #tpu.memory_space<vmem>>) target(%dma_start3A_37 : memref<10112xf32, #tpu.memory_space<vmem_shared>>) offsets(%dma_start3A_35 : memref<128xi32, #tpu.memory_space<vmem>>) semaphore(%arg11 : memref<!tpu.dma_semaphore, #tpu.memory_space<semaphore_mem>>) {add = true}
      %mul3A_38 = arith.constant 8 : i32
      %mul3A_39 = arith.muli %scan3A_20, %mul3A_38 : i32
      %add3A_40 = arith.constant 2 : i32
      %add3A_41 = arith.addi %mul3A_39, %add3A_40 : i32
      %dma_start3A_42 = arith.constant 0 : i32
      %dma_start3A_43 = tpu.memref_slice %arg7[%add3A_41, %dma_start3A_42] : memref<80x128xi32, #tpu.memory_space<vmem>> -> memref<1x128xi32, #tpu.memory_space<vmem>>
      %dma_start3A_44 = tpu.memref_squeeze %dma_start3A_43 : memref<1x128xi32, #tpu.memory_space<vmem>> -> memref<128xi32, #tpu.memory_space<vmem>>
      %dma_start3A_45 = arith.constant 0 : i32
      %dma_start3A_46 = tpu.memref_slice %arg10[%dma_start3A_45] : memref<10112xf32, #tpu.memory_space<vmem_shared>> -> memref<10112xf32, #tpu.memory_space<vmem_shared>>
      tpu.enqueue_indirect_dma source(%arg8 : memref<128xf32, #tpu.memory_space<vmem>>) target(%dma_start3A_46 : memref<10112xf32, #tpu.memory_space<vmem_shared>>) offsets(%dma_start3A_44 : memref<128xi32, #tpu.memory_space<vmem>>) semaphore(%arg11 : memref<!tpu.dma_semaphore, #tpu.memory_space<semaphore_mem>>) {add = true}
      %mul3A_47 = arith.constant 8 : i32
      %mul3A_48 = arith.muli %scan3A_20, %mul3A_47 : i32
      %add3A_49 = arith.constant 3 : i32
      %add3A_50 = arith.addi %mul3A_48, %add3A_49 : i32
      %dma_start3A_51 = arith.constant 0 : i32
      %dma_start3A_52 = tpu.memref_slice %arg7[%add3A_50, %dma_start3A_51] : memref<80x128xi32, #tpu.memory_space<vmem>> -> memref<1x128xi32, #tpu.memory_space<vmem>>
      %dma_start3A_53 = tpu.memref_squeeze %dma_start3A_52 : memref<1x128xi32, #tpu.memory_space<vmem>> -> memref<128xi32, #tpu.memory_space<vmem>>
      %dma_start3A_54 = arith.constant 0 : i32
      %dma_start3A_55 = tpu.memref_slice %arg10[%dma_start3A_54] : memref<10112xf32, #tpu.memory_space<vmem_shared>> -> memref<10112xf32, #tpu.memory_space<vmem_shared>>
      tpu.enqueue_indirect_dma source(%arg8 : memref<128xf32, #tpu.memory_space<vmem>>) target(%dma_start3A_55 : memref<10112xf32, #tpu.memory_space<vmem_shared>>) offsets(%dma_start3A_53 : memref<128xi32, #tpu.memory_space<vmem>>) semaphore(%arg11 : memref<!tpu.dma_semaphore, #tpu.memory_space<semaphore_mem>>) {add = true}
      %mul3A_56 = arith.constant 8 : i32
      %mul3A_57 = arith.muli %scan3A_20, %mul3A_56 : i32
      %add3A_58 = arith.constant 4 : i32
      %add3A_59 = arith.addi %mul3A_57, %add3A_58 : i32
      %dma_start3A_60 = arith.constant 0 : i32
      %dma_start3A_61 = tpu.memref_slice %arg7[%add3A_59, %dma_start3A_60] : memref<80x128xi32, #tpu.memory_space<vmem>> -> memref<1x128xi32, #tpu.memory_space<vmem>>
      %dma_start3A_62 = tpu.memref_squeeze %dma_start3A_61 : memref<1x128xi32, #tpu.memory_space<vmem>> -> memref<128xi32, #tpu.memory_space<vmem>>
      %dma_start3A_63 = arith.constant 0 : i32
      %dma_start3A_64 = tpu.memref_slice %arg10[%dma_start3A_63] : memref<10112xf32, #tpu.memory_space<vmem_shared>> -> memref<10112xf32, #tpu.memory_space<vmem_shared>>
      tpu.enqueue_indirect_dma source(%arg8 : memref<128xf32, #tpu.memory_space<vmem>>) target(%dma_start3A_64 : memref<10112xf32, #tpu.memory_space<vmem_shared>>) offsets(%dma_start3A_62 : memref<128xi32, #tpu.memory_space<vmem>>) semaphore(%arg11 : memref<!tpu.dma_semaphore, #tpu.memory_space<semaphore_mem>>) {add = true}
      %mul3A_65 = arith.constant 8 : i32
      %mul3A_66 = arith.muli %scan3A_20, %mul3A_65 : i32
      %add3A_67 = arith.constant 5 : i32
      %add3A_68 = arith.addi %mul3A_66, %add3A_67 : i32
      %dma_start3A_69 = arith.constant 0 : i32
      %dma_start3A_70 = tpu.memref_slice %arg7[%add3A_68, %dma_start3A_69] : memref<80x128xi32, #tpu.memory_space<vmem>> -> memref<1x128xi32, #tpu.memory_space<vmem>>
      %dma_start3A_71 = tpu.memref_squeeze %dma_start3A_70 : memref<1x128xi32, #tpu.memory_space<vmem>> -> memref<128xi32, #tpu.memory_space<vmem>>
      %dma_start3A_72 = arith.constant 0 : i32
      %dma_start3A_73 = tpu.memref_slice %arg10[%dma_start3A_72] : memref<10112xf32, #tpu.memory_space<vmem_shared>> -> memref<10112xf32, #tpu.memory_space<vmem_shared>>
      tpu.enqueue_indirect_dma source(%arg8 : memref<128xf32, #tpu.memory_space<vmem>>) target(%dma_start3A_73 : memref<10112xf32, #tpu.memory_space<vmem_shared>>) offsets(%dma_start3A_71 : memref<128xi32, #tpu.memory_space<vmem>>) semaphore(%arg11 : memref<!tpu.dma_semaphore, #tpu.memory_space<semaphore_mem>>) {add = true}
      %mul3A_74 = arith.constant 8 : i32
      %mul3A_75 = arith.muli %scan3A_20, %mul3A_74 : i32
      %add3A_76 = arith.constant 6 : i32
      %add3A_77 = arith.addi %mul3A_75, %add3A_76 : i32
      %dma_start3A_78 = arith.constant 0 : i32
      %dma_start3A_79 = tpu.memref_slice %arg7[%add3A_77, %dma_start3A_78] : memref<80x128xi32, #tpu.memory_space<vmem>> -> memref<1x128xi32, #tpu.memory_space<vmem>>
      %dma_start3A_80 = tpu.memref_squeeze %dma_start3A_79 : memref<1x128xi32, #tpu.memory_space<vmem>> -> memref<128xi32, #tpu.memory_space<vmem>>
      %dma_start3A_81 = arith.constant 0 : i32
      %dma_start3A_82 = tpu.memref_slice %arg10[%dma_start3A_81] : memref<10112xf32, #tpu.memory_space<vmem_shared>> -> memref<10112xf32, #tpu.memory_space<vmem_shared>>
      tpu.enqueue_indirect_dma source(%arg8 : memref<128xf32, #tpu.memory_space<vmem>>) target(%dma_start3A_82 : memref<10112xf32, #tpu.memory_space<vmem_shared>>) offsets(%dma_start3A_80 : memref<128xi32, #tpu.memory_space<vmem>>) semaphore(%arg11 : memref<!tpu.dma_semaphore, #tpu.memory_space<semaphore_mem>>) {add = true}
      %mul3A_83 = arith.constant 8 : i32
      %mul3A_84 = arith.muli %scan3A_20, %mul3A_83 : i32
      %add3A_85 = arith.constant 7 : i32
      %add3A_86 = arith.addi %mul3A_84, %add3A_85 : i32
      %dma_start3A_87 = arith.constant 0 : i32
      %dma_start3A_88 = tpu.memref_slice %arg7[%add3A_86, %dma_start3A_87] : memref<80x128xi32, #tpu.memory_space<vmem>> -> memref<1x128xi32, #tpu.memory_space<vmem>>
      %dma_start3A_89 = tpu.memref_squeeze %dma_start3A_88 : memref<1x128xi32, #tpu.memory_space<vmem>> -> memref<128xi32, #tpu.memory_space<vmem>>
      %dma_start3A_90 = arith.constant 0 : i32
      %dma_start3A_91 = tpu.memref_slice %arg10[%dma_start3A_90] : memref<10112xf32, #tpu.memory_space<vmem_shared>> -> memref<10112xf32, #tpu.memory_space<vmem_shared>>
      tpu.enqueue_indirect_dma source(%arg8 : memref<128xf32, #tpu.memory_space<vmem>>) target(%dma_start3A_91 : memref<10112xf32, #tpu.memory_space<vmem_shared>>) offsets(%dma_start3A_89 : memref<128xi32, #tpu.memory_space<vmem>>) semaphore(%arg11 : memref<!tpu.dma_semaphore, #tpu.memory_space<semaphore_mem>>) {add = true}
      %dma_wait3A = arith.constant 0 : i32
      %dma_wait3A_92 = tpu.memref_slice %arg7[%add3A_24, %dma_wait3A] : memref<80x128xi32, #tpu.memory_space<vmem>> -> memref<1x128xi32, #tpu.memory_space<vmem>>
      %dma_wait3A_93 = tpu.memref_squeeze %dma_wait3A_92 : memref<1x128xi32, #tpu.memory_space<vmem>> -> memref<128xi32, #tpu.memory_space<vmem>>
      %dma_wait3A_94 = arith.constant 0 : i32
      %dma_wait3A_95 = tpu.memref_slice %arg10[%dma_wait3A_94] : memref<10112xf32, #tpu.memory_space<vmem_shared>> -> memref<10112xf32, #tpu.memory_space<vmem_shared>>
      tpu.wait_indirect_dma semaphore(%arg11 : memref<!tpu.dma_semaphore, #tpu.memory_space<semaphore_mem>>) src(%arg8 : memref<128xf32, #tpu.memory_space<vmem>>) dst(%dma_wait3A_95 : memref<10112xf32, #tpu.memory_space<vmem_shared>>)
      %dma_wait3A_96 = arith.constant 0 : i32
      %dma_wait3A_97 = tpu.memref_slice %arg7[%add3A_32, %dma_wait3A_96] : memref<80x128xi32, #tpu.memory_space<vmem>> -> memref<1x128xi32, #tpu.memory_space<vmem>>
      %dma_wait3A_98 = tpu.memref_squeeze %dma_wait3A_97 : memref<1x128xi32, #tpu.memory_space<vmem>> -> memref<128xi32, #tpu.memory_space<vmem>>
      %dma_wait3A_99 = arith.constant 0 : i32
      %dma_wait3A_100 = tpu.memref_slice %arg10[%dma_wait3A_99] : memref<10112xf32, #tpu.memory_space<vmem_shared>> -> memref<10112xf32, #tpu.memory_space<vmem_shared>>
      tpu.wait_indirect_dma semaphore(%arg11 : memref<!tpu.dma_semaphore, #tpu.memory_space<semaphore_mem>>) src(%arg8 : memref<128xf32, #tpu.memory_space<vmem>>) dst(%dma_wait3A_100 : memref<10112xf32, #tpu.memory_space<vmem_shared>>)
      %dma_wait3A_101 = arith.constant 0 : i32
      %dma_wait3A_102 = tpu.memref_slice %arg7[%add3A_41, %dma_wait3A_101] : memref<80x128xi32, #tpu.memory_space<vmem>> -> memref<1x128xi32, #tpu.memory_space<vmem>>
      %dma_wait3A_103 = tpu.memref_squeeze %dma_wait3A_102 : memref<1x128xi32, #tpu.memory_space<vmem>> -> memref<128xi32, #tpu.memory_space<vmem>>
      %dma_wait3A_104 = arith.constant 0 : i32
      %dma_wait3A_105 = tpu.memref_slice %arg10[%dma_wait3A_104] : memref<10112xf32, #tpu.memory_space<vmem_shared>> -> memref<10112xf32, #tpu.memory_space<vmem_shared>>
      tpu.wait_indirect_dma semaphore(%arg11 : memref<!tpu.dma_semaphore, #tpu.memory_space<semaphore_mem>>) src(%arg8 : memref<128xf32, #tpu.memory_space<vmem>>) dst(%dma_wait3A_105 : memref<10112xf32, #tpu.memory_space<vmem_shared>>)
      %dma_wait3A_106 = arith.constant 0 : i32
      %dma_wait3A_107 = tpu.memref_slice %arg7[%add3A_50, %dma_wait3A_106] : memref<80x128xi32, #tpu.memory_space<vmem>> -> memref<1x128xi32, #tpu.memory_space<vmem>>
      %dma_wait3A_108 = tpu.memref_squeeze %dma_wait3A_107 : memref<1x128xi32, #tpu.memory_space<vmem>> -> memref<128xi32, #tpu.memory_space<vmem>>
      %dma_wait3A_109 = arith.constant 0 : i32
      %dma_wait3A_110 = tpu.memref_slice %arg10[%dma_wait3A_109] : memref<10112xf32, #tpu.memory_space<vmem_shared>> -> memref<10112xf32, #tpu.memory_space<vmem_shared>>
      tpu.wait_indirect_dma semaphore(%arg11 : memref<!tpu.dma_semaphore, #tpu.memory_space<semaphore_mem>>) src(%arg8 : memref<128xf32, #tpu.memory_space<vmem>>) dst(%dma_wait3A_110 : memref<10112xf32, #tpu.memory_space<vmem_shared>>)
      %dma_wait3A_111 = arith.constant 0 : i32
      %dma_wait3A_112 = tpu.memref_slice %arg7[%add3A_59, %dma_wait3A_111] : memref<80x128xi32, #tpu.memory_space<vmem>> -> memref<1x128xi32, #tpu.memory_space<vmem>>
      %dma_wait3A_113 = tpu.memref_squeeze %dma_wait3A_112 : memref<1x128xi32, #tpu.memory_space<vmem>> -> memref<128xi32, #tpu.memory_space<vmem>>
      %dma_wait3A_114 = arith.constant 0 : i32
      %dma_wait3A_115 = tpu.memref_slice %arg10[%dma_wait3A_114] : memref<10112xf32, #tpu.memory_space<vmem_shared>> -> memref<10112xf32, #tpu.memory_space<vmem_shared>>
      tpu.wait_indirect_dma semaphore(%arg11 : memref<!tpu.dma_semaphore, #tpu.memory_space<semaphore_mem>>) src(%arg8 : memref<128xf32, #tpu.memory_space<vmem>>) dst(%dma_wait3A_115 : memref<10112xf32, #tpu.memory_space<vmem_shared>>)
      %dma_wait3A_116 = arith.constant 0 : i32
      %dma_wait3A_117 = tpu.memref_slice %arg7[%add3A_68, %dma_wait3A_116] : memref<80x128xi32, #tpu.memory_space<vmem>> -> memref<1x128xi32, #tpu.memory_space<vmem>>
      %dma_wait3A_118 = tpu.memref_squeeze %dma_wait3A_117 : memref<1x128xi32, #tpu.memory_space<vmem>> -> memref<128xi32, #tpu.memory_space<vmem>>
      %dma_wait3A_119 = arith.constant 0 : i32
      %dma_wait3A_120 = tpu.memref_slice %arg10[%dma_wait3A_119] : memref<10112xf32, #tpu.memory_space<vmem_shared>> -> memref<10112xf32, #tpu.memory_space<vmem_shared>>
      tpu.wait_indirect_dma semaphore(%arg11 : memref<!tpu.dma_semaphore, #tpu.memory_space<semaphore_mem>>) src(%arg8 : memref<128xf32, #tpu.memory_space<vmem>>) dst(%dma_wait3A_120 : memref<10112xf32, #tpu.memory_space<vmem_shared>>)
      %dma_wait3A_121 = arith.constant 0 : i32
      %dma_wait3A_122 = tpu.memref_slice %arg7[%add3A_77, %dma_wait3A_121] : memref<80x128xi32, #tpu.memory_space<vmem>> -> memref<1x128xi32, #tpu.memory_space<vmem>>
      %dma_wait3A_123 = tpu.memref_squeeze %dma_wait3A_122 : memref<1x128xi32, #tpu.memory_space<vmem>> -> memref<128xi32, #tpu.memory_space<vmem>>
      %dma_wait3A_124 = arith.constant 0 : i32
      %dma_wait3A_125 = tpu.memref_slice %arg10[%dma_wait3A_124] : memref<10112xf32, #tpu.memory_space<vmem_shared>> -> memref<10112xf32, #tpu.memory_space<vmem_shared>>
      tpu.wait_indirect_dma semaphore(%arg11 : memref<!tpu.dma_semaphore, #tpu.memory_space<semaphore_mem>>) src(%arg8 : memref<128xf32, #tpu.memory_space<vmem>>) dst(%dma_wait3A_125 : memref<10112xf32, #tpu.memory_space<vmem_shared>>)
      %dma_wait3A_126 = arith.constant 0 : i32
      %dma_wait3A_127 = tpu.memref_slice %arg7[%add3A_86, %dma_wait3A_126] : memref<80x128xi32, #tpu.memory_space<vmem>> -> memref<1x128xi32, #tpu.memory_space<vmem>>
      %dma_wait3A_128 = tpu.memref_squeeze %dma_wait3A_127 : memref<1x128xi32, #tpu.memory_space<vmem>> -> memref<128xi32, #tpu.memory_space<vmem>>
      %dma_wait3A_129 = arith.constant 0 : i32
      %dma_wait3A_130 = tpu.memref_slice %arg10[%dma_wait3A_129] : memref<10112xf32, #tpu.memory_space<vmem_shared>> -> memref<10112xf32, #tpu.memory_space<vmem_shared>>
      tpu.wait_indirect_dma semaphore(%arg11 : memref<!tpu.dma_semaphore, #tpu.memory_space<semaphore_mem>>) src(%arg8 : memref<128xf32, #tpu.memory_space<vmem>>) dst(%dma_wait3A_130 : memref<10112xf32, #tpu.memory_space<vmem_shared>>)
    }
    %scan3A_9 = arith.constant 10 : i32
    %barrier3A_10 = arith.constant 0 : index
    tpu.barrier barrier_id(%barrier3A_10)
    %mul3A_11 = arith.constant 632 : i32
    %mul3A_12 = arith.muli %arg1, %mul3A_11 : i32
    "tpu.region"() ({
      %run_scoped3A = tpu.sem_alloc : memref<!tpu.dma_semaphore, #tpu.memory_space<semaphore_mem>>
      %dma_start3A = tpu.memref_slice %arg10[%mul3A_12] : memref<10112xf32, #tpu.memory_space<vmem_shared>> -> memref<632xf32, #tpu.memory_space<vmem_shared>>
      %dma_start3A_20 = tpu.memref_slice %arg10[%mul3A_12] : memref<10112xf32, #tpu.memory_space<vmem_shared>> -> memref<632xf32, #tpu.memory_space<vmem_shared>>
      tpu.enqueue_dma source(%dma_start3A_20 : memref<632xf32, #tpu.memory_space<vmem_shared>>) target(%arg9 : memref<632xf32, #tpu.memory_space<vmem>>) target_semaphore(%run_scoped3A : memref<!tpu.dma_semaphore, #tpu.memory_space<semaphore_mem>>)
      %dma_wait3A = tpu.memref_slice %arg10[%mul3A_12] : memref<10112xf32, #tpu.memory_space<vmem_shared>> -> memref<632xf32, #tpu.memory_space<vmem_shared>>
      %dma_wait3A_21 = tpu.memref_slice %arg10[%mul3A_12] : memref<10112xf32, #tpu.memory_space<vmem_shared>> -> memref<632xf32, #tpu.memory_space<vmem_shared>>
      tpu.wait_dma2 semaphore(%run_scoped3A : memref<!tpu.dma_semaphore, #tpu.memory_space<semaphore_mem>>) src(%dma_wait3A_21 : memref<632xf32, #tpu.memory_space<vmem_shared>>) dst(%arg9 : memref<632xf32, #tpu.memory_space<vmem>>)
      tpu.yield
    }) : () -> ()
    %eq3A = arith.constant 0 : i32
    %eq3A_13 = arith.cmpi eq, %arg0, %eq3A : i32
    %convert_element_type3A = arith.extui %eq3A_13 : i1 to i32
    %cond3A = arith.constant 0 : i32
    %cond3A_14 = arith.cmpi ne, %convert_element_type3A, %cond3A : i32
    scf.if %cond3A_14 {
      %mul3A_20 = arith.constant 632 : i32
      %mul3A_21 = arith.muli %arg1, %mul3A_20 : i32
      "tpu.region"() ({
        %run_scoped3A = tpu.sem_alloc : memref<!tpu.dma_semaphore, #tpu.memory_space<semaphore_mem>>
        %dma_start3A = tpu.memref_slice %arg5[%mul3A_21] : memref<10112xf32, #tpu.memory_space<hbm>> -> memref<632xf32, #tpu.memory_space<hbm>>
        %dma_start3A_22 = tpu.memref_slice %arg5[%mul3A_21] : memref<10112xf32, #tpu.memory_space<hbm>> -> memref<632xf32, #tpu.memory_space<hbm>>
        tpu.enqueue_dma source(%arg9 : memref<632xf32, #tpu.memory_space<vmem>>) target(%dma_start3A_22 : memref<632xf32, #tpu.memory_space<hbm>>) target_semaphore(%run_scoped3A : memref<!tpu.dma_semaphore, #tpu.memory_space<semaphore_mem>>)
        %dma_wait3A = tpu.memref_slice %arg5[%mul3A_21] : memref<10112xf32, #tpu.memory_space<hbm>> -> memref<632xf32, #tpu.memory_space<hbm>>
        %dma_wait3A_23 = tpu.memref_slice %arg5[%mul3A_21] : memref<10112xf32, #tpu.memory_space<hbm>> -> memref<632xf32, #tpu.memory_space<hbm>>
        tpu.wait_dma2 semaphore(%run_scoped3A : memref<!tpu.dma_semaphore, #tpu.memory_space<semaphore_mem>>) src(%arg9 : memref<632xf32, #tpu.memory_space<vmem>>) dst(%dma_wait3A_23 : memref<632xf32, #tpu.memory_space<hbm>>)
        tpu.yield
      }) : () -> ()
    } else {
    }
    %eq3A_15 = arith.constant 1 : i32
    %eq3A_16 = arith.cmpi eq, %arg0, %eq3A_15 : i32
    %convert_element_type3A_17 = arith.extui %eq3A_16 : i1 to i32
    %cond3A_18 = arith.constant 0 : i32
    %cond3A_19 = arith.cmpi ne, %convert_element_type3A_17, %cond3A_18 : i32
    scf.if %cond3A_19 {
      %mul3A_20 = arith.constant 632 : i32
      %mul3A_21 = arith.muli %arg1, %mul3A_20 : i32
      "tpu.region"() ({
        %run_scoped3A = tpu.sem_alloc : memref<!tpu.dma_semaphore, #tpu.memory_space<semaphore_mem>>
        %dma_start3A = tpu.memref_slice %arg6[%mul3A_21] : memref<10112xf32, #tpu.memory_space<hbm>> -> memref<632xf32, #tpu.memory_space<hbm>>
        %dma_start3A_22 = tpu.memref_slice %arg6[%mul3A_21] : memref<10112xf32, #tpu.memory_space<hbm>> -> memref<632xf32, #tpu.memory_space<hbm>>
        tpu.enqueue_dma source(%arg9 : memref<632xf32, #tpu.memory_space<vmem>>) target(%dma_start3A_22 : memref<632xf32, #tpu.memory_space<hbm>>) target_semaphore(%run_scoped3A : memref<!tpu.dma_semaphore, #tpu.memory_space<semaphore_mem>>)
        %dma_wait3A = tpu.memref_slice %arg6[%mul3A_21] : memref<10112xf32, #tpu.memory_space<hbm>> -> memref<632xf32, #tpu.memory_space<hbm>>
        %dma_wait3A_23 = tpu.memref_slice %arg6[%mul3A_21] : memref<10112xf32, #tpu.memory_space<hbm>> -> memref<632xf32, #tpu.memory_space<hbm>>
        tpu.wait_dma2 semaphore(%run_scoped3A : memref<!tpu.dma_semaphore, #tpu.memory_space<semaphore_mem>>) src(%arg9 : memref<632xf32, #tpu.memory_space<vmem>>) dst(%dma_wait3A_23 : memref<632xf32, #tpu.memory_space<hbm>>)
        tpu.yield
      }) : () -> ()
    } else {
    }
    return
  }
}

module attributes {stable_mosaic.version = 14 : i64} {
  func.func @_project_body(%arg0: memref<10000x128xf32, #tpu.memory_space<vmem>>, %arg1: memref<10112xf32, #tpu.memory_space<vmem>>, %arg2: memref<10112xf32, #tpu.memory_space<vmem>>, %arg3: memref<128x128xf32, #tpu.memory_space<vmem>>, %arg4: memref<512x128xf32, #tpu.memory_space<vmem>>, %arg5: memref<1x512xf32, #tpu.memory_space<vmem>>, %arg6: memref<10112x128xf32, #tpu.memory_space<vmem>>, %arg7: memref<10112x1xf32, #tpu.memory_space<vmem>>) attributes {dimension_semantics = [], scalar_prefetch = 0 : i64, scratch_operands = 0 : i64, tpu.core_type = #tpu.core_type<tc>} {
    %get3A = arith.constant 0 : index
    %get3A_0 = arith.constant 0 : index
    %get3A_1 = vector.load %arg3[%get3A, %get3A_0] : memref<128x128xf32, #tpu.memory_space<vmem>>, vector<128x128xf32>
    %get3A_2 = arith.constant 0 : index
    %get3A_3 = arith.constant 0 : index
    %get3A_4 = vector.load %arg4[%get3A_2, %get3A_3] : memref<512x128xf32, #tpu.memory_space<vmem>>, vector<512x128xf32>
    %dot_general3A = arith.constant dense<0.000000e+00> : vector<128x512xf32>
    %dot_general3A_5 = tpu.matmul %get3A_1, %get3A_4, %dot_general3A {dimension_numbers = #tpu.dot_dimension_numbers<[1], [1], [0], [0], [0, 0, 1, 0], [], []>, transpose_lhs_hint = false} : vector<128x128xf32>, vector<512x128xf32>, vector<128x512xf32> -> vector<128x512xf32>
    %get3A_6 = arith.constant 0 : index
    %get3A_7 = arith.constant 0 : index
    %get3A_8 = vector.load %arg5[%get3A_6, %get3A_7] : memref<1x512xf32, #tpu.memory_space<vmem>>, vector<1x512xf32>
    %add3A = vector.broadcast %get3A_8 : vector<1x512xf32> to vector<128x512xf32>
    %add3A_9 = arith.addf %dot_general3A_5, %add3A : vector<128x512xf32>
    %slice3A = vector.extract_strided_slice %add3A_9 {offsets = [0, 0], sizes = [128, 128], strides = [1, 1]} : vector<128x512xf32> to vector<128x128xf32>
    %logistic3A = arith.negf %slice3A : vector<128x128xf32>
    %logistic3A_10 = math.exp %logistic3A : vector<128x128xf32>
    %logistic3A_11 = arith.constant 1.000000e+00 : f32
    %logistic3A_12 = vector.broadcast %logistic3A_11 : f32 to vector<128x128xf32>
    %logistic3A_13 = arith.addf %logistic3A_12, %logistic3A_10 : vector<128x128xf32>
    %logistic3A_14 = arith.divf %logistic3A_12, %logistic3A_13 : vector<128x128xf32>
    %slice3A_15 = vector.extract_strided_slice %add3A_9 {offsets = [0, 256], sizes = [128, 128], strides = [1, 1]} : vector<128x512xf32> to vector<128x128xf32>
    %tanh3A = math.tanh %slice3A_15 : vector<128x128xf32>
    %slice3A_16 = vector.extract_strided_slice %add3A_9 {offsets = [0, 384], sizes = [128, 128], strides = [1, 1]} : vector<128x512xf32> to vector<128x128xf32>
    %logistic3A_17 = arith.negf %slice3A_16 : vector<128x128xf32>
    %logistic3A_18 = math.exp %logistic3A_17 : vector<128x128xf32>
    %logistic3A_19 = arith.constant 1.000000e+00 : f32
    %logistic3A_20 = vector.broadcast %logistic3A_19 : f32 to vector<128x128xf32>
    %logistic3A_21 = arith.addf %logistic3A_20, %logistic3A_18 : vector<128x128xf32>
    %logistic3A_22 = arith.divf %logistic3A_20, %logistic3A_21 : vector<128x128xf32>
    %mul3A = arith.mulf %logistic3A_14, %tanh3A : vector<128x128xf32>
    %tanh3A_23 = math.tanh %mul3A : vector<128x128xf32>
    %mul3A_24 = arith.mulf %logistic3A_22, %tanh3A_23 : vector<128x128xf32>
    %get3A_25 = arith.constant 0 : index
    %get3A_26 = vector.load %arg1[%get3A_25] : memref<10112xf32, #tpu.memory_space<vmem>>, vector<10112xf32>
    %get3A_27 = arith.constant 0 : index
    %get3A_28 = vector.load %arg2[%get3A_27] : memref<10112xf32, #tpu.memory_space<vmem>>, vector<10112xf32>
    %add3A_29 = arith.addf %get3A_26, %get3A_28 : vector<10112xf32>
    %add3A_30 = arith.constant 1.000000e+00 : f32
    %add3A_31 = vector.broadcast %add3A_30 : f32 to vector<10112xf32>
    %add3A_32 = arith.addf %add3A_29, %add3A_31 : vector<10112xf32>
    %reshape3A = vector.shape_cast %add3A_32 : vector<10112xf32> to vector<10112x1xf32>
    %rsqrt3A = math.rsqrt %reshape3A : vector<10112x1xf32>
    %get3A_33 = arith.constant 0 : index
    %get3A_34 = arith.constant 0 : index
    %get3A_35 = vector.load %arg0[%get3A_33, %get3A_34] : memref<10000x128xf32, #tpu.memory_space<vmem>>, vector<10000x128xf32>
    %dot_general3A_36 = arith.constant dense<0.000000e+00> : vector<10000x128xf32>
    %dot_general3A_37 = tpu.matmul %get3A_35, %mul3A_24, %dot_general3A_36 {dimension_numbers = #tpu.dot_dimension_numbers<[1], [0], [0], [1], [0, 0, 1, 1], [], []>, transpose_lhs_hint = false} : vector<10000x128xf32>, vector<128x128xf32>, vector<10000x128xf32> -> vector<10000x128xf32>
    %slice3A_38 = vector.extract_strided_slice %rsqrt3A {offsets = [0, 0], sizes = [10000, 1], strides = [1, 1]} : vector<10112x1xf32> to vector<10000x1xf32>
    %mul3A_39 = vector.broadcast %slice3A_38 : vector<10000x1xf32> to vector<10000x128xf32>
    %mul3A_40 = arith.mulf %dot_general3A_37, %mul3A_39 : vector<10000x128xf32>
    %swap3A = arith.constant 0 : index
    %swap3A_41 = arith.constant 0 : index
    %swap3A_42 = vector.load %arg6[%swap3A, %swap3A_41] : memref<10112x128xf32, #tpu.memory_space<vmem>>, vector<10000x128xf32>
    tpu.vector_store %arg6[%swap3A, %swap3A_41], %mul3A_40 {strides = array<i32>} : memref<10112x128xf32, #tpu.memory_space<vmem>>, vector<10000x128xf32>,
    %broadcast_in_dim3A = arith.constant 0.000000e+00 : f32
    %broadcast_in_dim3A_43 = vector.broadcast %broadcast_in_dim3A : f32 to vector<112x128xf32>
    %swap3A_44 = arith.constant 10000 : index
    %swap3A_45 = arith.constant 0 : index
    %swap3A_46 = vector.load %arg6[%swap3A_44, %swap3A_45] : memref<10112x128xf32, #tpu.memory_space<vmem>>, vector<112x128xf32>
    tpu.vector_store %arg6[%swap3A_44, %swap3A_45], %broadcast_in_dim3A_43 {strides = array<i32>} : memref<10112x128xf32, #tpu.memory_space<vmem>>, vector<112x128xf32>,
    %swap3A_47 = arith.constant 0 : index
    %swap3A_48 = arith.constant 0 : index
    %swap3A_49 = vector.load %arg7[%swap3A_47, %swap3A_48] : memref<10112x1xf32, #tpu.memory_space<vmem>>, vector<10112x1xf32>
    tpu.vector_store %arg7[%swap3A_47, %swap3A_48], %rsqrt3A {strides = array<i32>} : memref<10112x1xf32, #tpu.memory_space<vmem>>, vector<10112x1xf32>,
    return
  }
}

module attributes {stable_mosaic.version = 14 : i64} {
  func.func @_combine_body(%arg0: i32, %arg1: memref<2x1000x128xf32, #tpu.memory_space<vmem>>, %arg2: memref<1000x128xf32, #tpu.memory_space<vmem>>, %arg3: memref<1000x1xf32, #tpu.memory_space<vmem>>, %arg4: memref<1000x128xf32, #tpu.memory_space<vmem>>) attributes {dimension_semantics = [#tpu.dimension_semantics<arbitrary>], iteration_bounds = array<i64: 10>, scalar_prefetch = 0 : i64, scratch_operands = 0 : i64, tpu.core_type = #tpu.core_type<tc>, window_params = [{transform_indices = @transform_0, window_bounds = array<i64: 2, 1000, 128>}, {transform_indices = @transform_1, window_bounds = array<i64: 1000, 128>}, {transform_indices = @transform_2, window_bounds = array<i64: 1000, 1>}, {transform_indices = @transform_3, window_bounds = array<i64: 1000, 128>}]} {
    %get3A = arith.constant 0 : index
    %get3A_0 = arith.constant 0 : index
    %get3A_1 = arith.constant 0 : index
    %get3A_2 = vector.load %arg1[%get3A, %get3A_0, %get3A_1] : memref<2x1000x128xf32, #tpu.memory_space<vmem>>, vector<1x1000x128xf32>
    %get3A_3 = vector.shape_cast %get3A_2 : vector<1x1000x128xf32> to vector<1000x128xf32>
    %get3A_4 = arith.constant 1 : index
    %get3A_5 = arith.constant 0 : index
    %get3A_6 = arith.constant 0 : index
    %get3A_7 = vector.load %arg1[%get3A_4, %get3A_5, %get3A_6] : memref<2x1000x128xf32, #tpu.memory_space<vmem>>, vector<1x1000x128xf32>
    %get3A_8 = vector.shape_cast %get3A_7 : vector<1x1000x128xf32> to vector<1000x128xf32>
    %add3A = arith.addf %get3A_3, %get3A_8 : vector<1000x128xf32>
    %get3A_9 = arith.constant 0 : index
    %get3A_10 = arith.constant 0 : index
    %get3A_11 = vector.load %arg2[%get3A_9, %get3A_10] : memref<1000x128xf32, #tpu.memory_space<vmem>>, vector<1000x128xf32>
    %add3A_12 = arith.addf %add3A, %get3A_11 : vector<1000x128xf32>
    %get3A_13 = arith.constant 0 : index
    %get3A_14 = arith.constant 0 : index
    %get3A_15 = vector.load %arg3[%get3A_13, %get3A_14] : memref<1000x1xf32, #tpu.memory_space<vmem>>, vector<1000x1xf32>
    %mul3A = vector.broadcast %get3A_15 : vector<1000x1xf32> to vector<1000x128xf32>
    %mul3A_16 = arith.mulf %add3A_12, %mul3A : vector<1000x128xf32>
    %swap3A = arith.constant 0 : index
    %swap3A_17 = arith.constant 0 : index
    %swap3A_18 = vector.load %arg4[%swap3A, %swap3A_17] : memref<1000x128xf32, #tpu.memory_space<vmem>>, vector<1000x128xf32>
    tpu.vector_store %arg4[%swap3A, %swap3A_17], %mul3A_16 {strides = array<i32>} : memref<1000x128xf32, #tpu.memory_space<vmem>>, vector<1000x128xf32>,
    return
  }
  func.func @transform_0(%arg0: i32) -> (i32, i32, i32) {
    %c0_i32 = arith.constant 0 : i32
    %c0_i32_0 = arith.constant 0 : i32
    %c0_i32_1 = arith.constant 0 : i32
    return %c0_i32, %arg0, %c0_i32_0 : i32, i32, i32
  }
  func.func @transform_1(%arg0: i32) -> (i32, i32) {
    %c0_i32 = arith.constant 0 : i32
    %c0_i32_0 = arith.constant 0 : i32
    return %arg0, %c0_i32 : i32, i32
  }
  func.func @transform_2(%arg0: i32) -> (i32, i32) {
    %c0_i32 = arith.constant 0 : i32
    %c0_i32_0 = arith.constant 0 : i32
    return %arg0, %c0_i32 : i32, i32
  }
  func.func @transform_3(%arg0: i32) -> (i32, i32) {
    %c0_i32 = arith.constant 0 : i32
    %c0_i32_0 = arith.constant 0 : i32
    return %arg0, %c0_i32 : i32, i32
  }
}

</mosaic_0001>

<sc_bundles>
// kernel: kernel.6.cloned.1.call-start
scs
__scs_entry_jumppad:
0x0: {  	(pc) =	sbr.rel $0x88, $3  }
0x1: {  	(tag) =	ssettag $0x0;
	lr =	simm.s32 $0x1  }
0x2: {  	[smem:$0x3F9B] =	sst lr;
	_ =	strace $0xD0000000  }
0x3: {  	_ = 	snop  }
0x4: {  	_ = 	snop  }
0x5: {  	_ = 	snop  }
0x6: {  	_ = 	snop  }
0x7: {  	_ = 	snop  }
__scs_overlays_trampoline_lowered:
0x8: {  	[smem:$0x3FAA] =	sst s0  }
0x9: {  	[smem:$0x3FAB] =	sst s1  }
0xa: {  	[smem:$0x3FAC] =	sst s2  }
0xb: {  	[smem:$0x3FAD] =	sst s3  }
0xc: {  	[smem:$0x3FAE] =	sst s4  }
0xd: {  	[smem:$0x3FAF] =	sst s5  }
0xe: {  	[smem:$0x3FB0] =	sst s6  }
0xf: {  	[smem:$0x3FB1] =	sst s7  }
0x10: {  	[smem:$0x3FB2] =	sst s8  }
0x11: {  	[smem:$0x3FB3] =	sst s9;
	s0 =	simm.s32 @!p0 $0x0  }
0x12: {  	s1 =	sld [smem:$0x3F99];
	s0 =	simm.s32 @p0 $0x1  }
0x13: {  	[smem:$0x3FB4] =	sst s0;
	s0 =	simm.s32 @!p1 $0x0  }
0x14: {  	s2 =	sld [smem:$0x3F98];
	s0 =	simm.s32 @p1 $0x1  }
0x15: {  	[smem:$0x3FB5] =	sst s0;
	s0 =	simm.s32 @!p2 $0x0  }
0x16: {  	s3 =	sld [smem:$0x3FDB];
	s0 =	simm.s32 @p2 $0x1  }
0x17: {  	s4 =	simm.s32 $0x1BF5;
	[smem:$0x3FB7] =	sst s0  }
0x18: {  	s0 =	sld [smem:$0x3F9A];
	_ =	swait.ge [sflag:s4], $0x0  }
0x19: {  	s7 =	sld [smem:$0x3F9B]  }
0x1a: {  	s8 =	sadd.s32 $0xFFFFE003, lr  }
0x1b: {  	s9 =	sadd.s32 $0xFFFFFEF7, lr;
	s5 =	simm.s32 $0xFFFFFFFF;
	p2 =	slt.u32 s8, $0xFFFFF086  }
0x1c: {  	p1 =	slt.u32 s9, $0xF7A;
	s5 =	simm.s32 @!p2 $0x0  }
0x1d: {  	s5 =	simm.s32 @p1 $0x1;
	p0 =	seq.s32 s7, s2  }
0x1e: {  	s7 =	smul.u32 @!p0 $0xF7A, s2;
	p2 =	seq.s32 @!p0 s5, $0x0  }
0x1f: {  	s9 =	smul.u32 $0xF7A, s1;
	s8 =	simm.s32 @!p0 $0x1BF5;
	p2 =	por !p2, p0  }
0x20: {  	[sflag:s8] =	ssyncset.s32 @!p0 $0xFFFFF086;
	s6 =	sadd.s32 @!p0 s3, s7;
	s7 =	simm.s32 @!p0 $0x108  }
0x21: {  	s3 =	sadd.s32 s3, s9;
	s6 =	sadd.s32 @!p0 $0x88, s6;
	s7 =	simm.s32 @p2 $0x1082  }
0x22: {  	[simem:s7], [sflag:s8] =	dma.local @!p0 [hbm:s6], $0xF7A  }
0x23: {  	s9 =	sor.u32 $0xD0000000, s2;
	s6 =	simm.s32 $0x108;
	_ =	swait.ge @!p0 [sflag:s8], $0x0  }
0x24: {  	s3 =	sadd.s32 $0x88, s3;
	s6 =	simm.s32 @!p1 $0x1082;
	[sflag:s4] =	ssyncset.s32 $0xFFFFF086  }
0x25: {  	[simem:s6], [sflag:s4] =	dma.local [hbm:s3], $0xF7A  }
0x26: {  	[smem:$0x3F9B] =	sst s1;
	(tag) =	ssettag s2;
	_ =	strace s9  }
0x27: {  	s1 =	sld [smem:$0x3FAB]  }
0x28: {  	s2 =	sld [smem:$0x3FAC]  }
0x29: {  	s4 =	sld [smem:$0x3FAE]  }
0x2a: {  	p0 =	seq.s32 s5, $0x0;
	s5 =	sld [smem:$0x3FAF]  }
0x2b: {  	s6 =	sld [smem:$0x3FB0]  }
0x2c: {  	s7 =	sld [smem:$0x3FB1]  }
0x2d: {  	s3 =	simm.s32 $0x108;
	s8 =	sld [smem:$0x3FB2]  }
0x2e: {  	s3 =	simm.s32 @!p0 $0x1082;
	s9 =	sld [smem:$0x3FB3]  }
0x2f: {  	lr =	sadd.s32 s0, s3;
	s0 =	sld [smem:$0x3FAA]  }
0x30: {  	s3 =	sld [smem:$0x3FAD]  }
0x31: {  	[smem:$0x3FB6] =	sst s10  }
0x32: {  	s10 =	sld [smem:$0x3FB4];
	_ =	sdelay $0x3  }
0x33: {  	p0 =	seq.s32 s10, $0x1;
	s10 =	sld [smem:$0x3FB6];
	_ =	sdelay $0x3  }
0x34: {  	[smem:$0x3FB6] =	sst s10  }
0x35: {  	s10 =	sld [smem:$0x3FB5];
	_ =	sdelay $0x3  }
0x36: {  	p1 =	seq.s32 s10, $0x1;
	s10 =	sld [smem:$0x3FB6];
	_ =	sdelay $0x3  }
0x37: {  	[smem:$0x3FB6] =	sst s10  }
0x38: {  	s10 =	sld [smem:$0x3FB7]  }
0x39: {  	_ = 	snop;
	(pc) =	sbr.ind lr, $3  }
0x3a: {  	_ = 	snop  }
0x3b: {  	_ = 	snop  }
0x3c: {  	p2 =	seq.s32 s10, $0x1;
	s10 =	sld [smem:$0x3FB6]  }
0x3d: {  	_ =	shalt  }
0x3e: {  	_ =	shalt  }
0x3f: {  	_ =	shalt  }
0x40: {  	_ =	shalt  }
0x41: {  	_ =	shalt  }
0x42: {  	_ =	shalt  }
0x43: {  	_ =	shalt  }
0x44: {  	_ =	shalt  }
0x45: {  	_ =	shalt  }
0x46: {  	_ =	shalt  }
0x47: {  	_ =	shalt  }
0x48: {  	_ =	shalt  }
0x49: {  	_ =	shalt  }
0x4a: {  	_ =	shalt  }
0x4b: {  	_ =	shalt  }
0x4c: {  	_ =	shalt  }
0x4d: {  	_ =	shalt  }
0x4e: {  	_ =	shalt  }
0x4f: {  	_ =	shalt  }
0x50: {  	_ =	shalt  }
0x51: {  	_ =	shalt  }
0x52: {  	_ =	shalt  }
0x53: {  	_ =	shalt  }
0x54: {  	_ =	shalt  }
0x55: {  	_ =	shalt  }
0x56: {  	_ =	shalt  }
0x57: {  	_ =	shalt  }
0x58: {  	_ =	shalt  }
0x59: {  	_ =	shalt  }
0x5a: {  	_ =	shalt  }
0x5b: {  	_ =	shalt  }
0x5c: {  	_ =	shalt  }
0x5d: {  	_ =	shalt  }
0x5e: {  	_ =	shalt  }
0x5f: {  	_ =	shalt  }
0x60: {  	_ =	shalt  }
0x61: {  	_ =	shalt  }
0x62: {  	_ =	shalt  }
0x63: {  	_ =	shalt  }
0x64: {  	_ =	shalt  }
0x65: {  	_ =	shalt  }
0x66: {  	_ =	shalt  }
0x67: {  	_ =	shalt  }
0x68: {  	_ =	shalt  }
0x69: {  	_ =	shalt  }
0x6a: {  	_ =	shalt  }
0x6b: {  	_ =	shalt  }
0x6c: {  	_ =	shalt  }
0x6d: {  	_ =	shalt  }
0x6e: {  	_ =	shalt  }
0x6f: {  	_ =	shalt  }
0x70: {  	_ =	shalt  }
0x71: {  	_ =	shalt  }
0x72: {  	_ =	shalt  }
0x73: {  	_ =	shalt  }
0x74: {  	_ =	shalt  }
0x75: {  	_ =	shalt  }
0x76: {  	_ =	shalt  }
0x77: {  	_ =	shalt  }
0x78: {  	_ =	shalt  }
0x79: {  	_ =	shalt  }
0x7a: {  	_ =	shalt  }
0x7b: {  	_ =	shalt  }
0x7c: {  	_ =	shalt  }
0x7d: {  	_ =	shalt  }
0x7e: {  	_ =	shalt  }
0x7f: {  	_ =	shalt  }
0x80: {  	_ =	shalt  }
0x81: {  	_ =	shalt  }
0x82: {  	_ =	shalt  }
0x83: {  	_ =	shalt  }
0x84: {  	_ =	shalt  }
0x85: {  	_ =	shalt  }
0x86: {  	_ =	shalt  }
0x87: {  	_ =	shalt  }
.Lfunc_end0:
.L_simem_size_0:
called_computation_lowered:
.L_overlay_start_0:
0x88: {  	s2 =	sld [smem:$0x3FD9]  }
0x89: {  	s3 =	sld [smem:$0x3FFE];
	_ =	sdelay $0x1  }
0x8a: {  	s1 =	srdreg.scid  }
0x8b: {  	s0 =	sand.u32 $0x1, s1  }
0x8c: {  	s17 =	sshll.u32 s0, $0xA;
	s2 =	sadd.s32 s3, s2  }
0x8d: {  	s2 =	sadd.s32 s2, s17  }
0x8e: {  	[smem:$0x3FC2] =	sst s2  }
0x8f: {  	_ = 	snop  }
0x90: {  	s2 =	sld [smem:$0x3FD0];
	(tm) =	ssettm $0x1  }
0x91: {  	s18 =	sld [smem:$0x3FFB];
	_ =	sdelay $0x3  }
0x92: {  	_ =	strace s18  }
0x93: {  	s3 =	sld [smem:$0x3FFC];
	_ =	sdelay $0x3  }
0x94: {  	_ =	strace s3  }
0x95: {  	s3 =	sld [smem:$0x3FFD];
	_ =	sdelay $0x3  }
0x96: {  	_ =	strace s3  }
0x97: {  	_ =	strace $0x8FFFFFFF  }
0x98: {  	s19 =	sld [smem:$0x3FDB];
	_ =	sdelay $0x1  }
0x99: {  	s4 =	simm.s32 $_scs_section_size  }
0x9a: {  	s5 =	simm.s32 $_size__tile_overlayer_lowered;
	s6 =	simm.s32 $_tile_overlayer_lowered  }
0x9b: {  	s22 =	simm.s32 $0x1BFF;
	s21 =	sshll.u32 s6, $0x1;
	s3 =	sadd.s32 s4, s19  }
0x9c: {  	s7 =	simm.s32 $0x0;
	s20 =	sshll.u32 s5, $0x1;
	s5 =	sadd.s32 s21, s3  }
0x9d: {  	[timem:s7], [sflag:s22] =	dma.local [hbm:s5], s20  }
0x9e: {  	_ =	swait.ge [sflag:s22], s20  }
0x9f: {  	s4 =	ssub.s32 $0x0, s20;
	[sflag:s22] =	ssyncset.done $0x0  }
0xa0: {  	[sflag:s22] =	ssyncadd.s32 s4;
	_ =	sdelay $0x1  }
0xa1: {  	s23 =	simm.s32 $0x1B8B  }
0xa2: {  	_ =	swait.ge [sflag:s23], $0x1  }
0xa3: {  	[sflag:s23] =	ssyncset.done $0x0  }
0xa4: {  	s25 =	simm.s32 $0x1B8E;
	s24 =	sld [smem:$0x3FFE];
	[sflag:s23] =	ssyncadd.s32 $0xFFFFFFFF  }
0xa5: {  	s26 =	simm.s32 $execute0_lowered;
	[smem:$0x3FD2] =	sst s25  }
0xa6: {  	s5 =	sshll.u32 s26, $0x1;
	_ =	strace $0x80000046;
	[dreg:$0x1] =	wrdreg $0xFFFFFFFF  }
0xa7: {  	s28 =	simm.s32 $_size_execute0_lowered;
	s3 =	sadd.s32 s3, s5;
	[dreg:$0x0] =	wrdreg $0x0  }
0xa8: {  	s5 =	sshll.u32 s28, $0x1;
	[dreg:$0x2] =	wrdreg s3  }
0xa9: {  	[dreg:$0x3] =	wrdreg s5  }
0xaa: {  	[dreg:$0x4] =	wrdreg $0xC0  }
0xab: {  	_ =	task [dreg:s7], $0x5FFFF  }
0xac: {  	[dreg:$0x1] =	wrdreg $0xFFFFFFFF  }
0xad: {  	[dreg:$0x0] =	wrdreg $0x60  }
0xae: {  	[dreg:$0x2] =	wrdreg s2  }
0xaf: {  	[dreg:$0x3] =	wrdreg s24  }
0xb0: {  	[dreg:$0x4] =	wrdreg $0x2B000  }
0xb1: {  	[dreg:$0x5] =	wrdreg $0x9  }
0xb2: {  	_ =	task.clear_ibuf [dreg:s7], $0x6FFFF;
	_ =	strace $0x90000046  }
0xb3: {  	s29 =	simm.s32 $0x9;
	_ =	strace $0x80000048  }
0xb4: {  	_ =	swait.ge [sflag:s29], $0x1  }
0xb5: {  	[sflag:s29] =	ssyncadd.s32 $0xFFFFFFFF  }
0xb6: {  	_ =	strace $0x90000048  }
0xb7: {  	_ =	sfence  }
0xb8: {  	s30 =	sld [smem:$0x0];
	_ =	sdelay $0x2  }
0xb9: {  	s31 =	sshll.u32 s1, $0xD;
	s1 =	sshrl.u32 s1, $0x2  }
0xba: {  	s3 =	sand.u32 $0x4000, s31;
	s1 =	sadd.s32 s1, s30  }
0xbb: {  	s0 =	sor.u32 s3, s0;
	s1 =	sshll.u32 s1, $0x11  }
0xbc: {  	s0 =	sor.u32 s1, s0  }
0xbd: {  	s0 =	sadd.s32 $0x8F2B, s0  }
0xbe: {  	[sflag:s0] =	ssyncadd.remote.s32 $0x1  }
0xbf: {  	_ =	sfence.sel $0xFFFF  }
0xc0: {  	[dreg:$0x0] =	wrdreg $0xFFFFFFFF;
	(pc) =	sbr.abs _section_cstart, $3  }
0xc1: {  	[dreg:$0x1] =	wrdreg $0xFFFFFFFF  }
0xc2: {  	_ =	task.clear_ibuf [dreg:s7], $0x2FFFF;
	_ =	strace $0x9FFFFFFF  }
0xc3: {  	(tm) =	ssettm $0x7FFFFFFF  }
tec
execute0_lowered:
.L_overlay_start_1:
0x0: {  	(tag) =	ssettag $0x1  }
0x1: {  	s5 =	rddreg [dreg:$0x0]  }
0x2: {  	s4 =	rddreg [dreg:$0x1]  }
0x3: {  	s2 =	rddreg [dreg:$0x2]  }
0x4: {  	s0 =	rddreg [dreg:$0x3]  }
0x5: {  	s1 =	stileid.u32;
	s3 =	simm.s32 $0x0;
	s6 =	srdreg.scid  }
0x6: {  	s12 =	simm.s32 $0x2880;
	s13 =	simm.s32 $0x80;
	s14 =	simm.s32 $0x1  }
0x7: {  	s7 =	smul.u32 $0x278, s1;
	[smem:$0x7FF] =	sst s3;
	s6 =	sand.u32 $0x1, s6  }
0x8: {  	s15 =	simm.s32 $0x0;
	_ =	strace $0x80000047;
	s9 =	sshll.u32 s6, $0x4  }
0x9: {  	s31 =	ssub.s32 $0x2, s6;
	p0 =	seq.s32 s6, $0x1;
	s8 =	sshrl.u32 s7, $0x3  }
0xa: {  	s9 =	sor.u32 s1, s9;
	s11 =	sshrl.u32 s31, $0x1;
	s7 =	sadd.s32 s7, s2  }
0xb: {  	s10 =	sadd.s32 s8, s4;
	s4 =	sadd.s32 $0xC200, s4;
	s9 =	smul.u32 $0x500, s9  }
0xc: {  	s8 =	ssub.s32 s31, s11;
	s11 =	simm.s32 $0xD000;
	s6 =	sadd.s32 $0xC400, s10  }
0xd: {  	s11 =	simm.s32 @!p0 $0xCA00;
	s8 =	smax.u32 s8, $0x1;
	s5 =	sadd.s32 s5, s9  }
0xe: {  	s9 =	sadd.s32 s11, s10;
	s10 =	simm.s32 $0x2;
	s11 =	simm.s32 $0x2800  }
.LBB2_1:
0xf: {  	[tilespmem:s3], [sflag:$0x2] =	stream.linear.gather [hbm4b:s5+s3], $0x2800, $0x38;
	[tilespmem:$0x2D78] =	vst v63  }
0x10: {  	_ =	swait.ge [sflag:s10], $0x2800  }
0x11: {  	[sflag:s10] =	ssyncset.done $0x0  }
0x12: {  	[sflag:s10] =	ssyncadd.s32 $0xFFFFD800  }
0x13: {  	[tilespmem:s11], [sflag:$0x2] =	stream.linear.gather [hbm4b:s4+s3], $0x80, $0x38;
	[tilespmem:$0x2D78] =	vst v63  }
0x14: {  	_ =	swait.ge [sflag:s10], $0x80  }
0x15: {  	[sflag:s10] =	ssyncset.done $0x0  }
0x16: {  	[sflag:s10] =	ssyncadd.s32 $0xFFFFFF80  }
0x17: {  	[tilespmem:s12], [sflag:$0x2] =	stream.linear.gather [hbm4b:s6+s3], $0x278, $0x38;
	[tilespmem:$0x2D78] =	vst v63  }
0x18: {  	_ =	swait.ge [sflag:s10], $0x278  }
0x19: {  	[sflag:s10] =	ssyncset.done $0x0  }
0x1a: {  	[sflag:s10] =	ssyncadd.s32 $0xFFFFFD88  }
0x1b: {  	[spmem:s7] =	stream.linear.scatter [tilespmem:s12], [sflag:$0x2], $0x278, $0x38;
	[tilespmem:$0x2D78] =	vst v63  }
0x1c: {  	_ =	swait.ge [sflag:s10], $0x278  }
0x1d: {  	[sflag:s10] =	ssyncset.done $0x0  }
0x1e: {  	[sflag:s10] =	ssyncadd.s32 $0xFFFFFD88  }
0x1f: {  	s16 =	simm.s32 $0x0;
	[bflag:$0x0] =	sbarrier.arrive $0xFFFF  }
0x20: {  	[spmem:s2] =	stream.indirect.scatter.add.f32 [tilespmem:s11], [sflag:$0x1], $0x1, s16, s13, $0xb8;
	[tilespmem:$0x2D78] =	vst v63  }
0x21: {  	s24 =	simm.s32 $0x80  }
0x22: {  	[spmem:s2] =	stream.indirect.scatter.add.f32 [tilespmem:s11], [sflag:$0x1], $0x1, s24, s13, $0xb8;
	[tilespmem:$0x2D78] =	vst v63  }
0x23: {  	s25 =	simm.s32 $0x100  }
0x24: {  	[spmem:s2] =	stream.indirect.scatter.add.f32 [tilespmem:s11], [sflag:$0x1], $0x1, s25, s13, $0xb8;
	[tilespmem:$0x2D78] =	vst v63  }
0x25: {  	s26 =	simm.s32 $0x180  }
0x26: {  	[spmem:s2] =	stream.indirect.scatter.add.f32 [tilespmem:s11], [sflag:$0x1], $0x1, s26, s13, $0xb8;
	[tilespmem:$0x2D78] =	vst v63  }
0x27: {  	s28 =	simm.s32 $0x200  }
0x28: {  	[spmem:s2] =	stream.indirect.scatter.add.f32 [tilespmem:s11], [sflag:$0x1], $0x1, s28, s13, $0xb8;
	[tilespmem:$0x2D78] =	vst v63  }
0x29: {  	s29 =	simm.s32 $0x280  }
0x2a: {  	[spmem:s2] =	stream.indirect.scatter.add.f32 [tilespmem:s11], [sflag:$0x1], $0x1, s29, s13, $0xb8;
	[tilespmem:$0x2D78] =	vst v63  }
0x2b: {  	s30 =	simm.s32 $0x300  }
0x2c: {  	[spmem:s2] =	stream.indirect.scatter.add.f32 [tilespmem:s11], [sflag:$0x1], $0x1, s30, s13, $0xb8;
	[tilespmem:$0x2D78] =	vst v63  }
0x2d: {  	s31 =	simm.s32 $0x380  }
0x2e: {  	[spmem:s2] =	stream.indirect.scatter.add.f32 [tilespmem:s11], [sflag:$0x1], $0x1, s31, s13, $0xb8;
	[tilespmem:$0x2D78] =	vst v63  }
0x2f: {  	_ =	swait.ge [sflag:s14], $0x80  }
0x30: {  	[sflag:s14] =	ssyncset.done $0x0  }
0x31: {  	[sflag:s14] =	ssyncadd.s32 $0xFFFFFF80  }
0x32: {  	_ =	swait.ge [sflag:s14], $0x80  }
0x33: {  	[sflag:s14] =	ssyncset.done $0x0  }
0x34: {  	[sflag:s14] =	ssyncadd.s32 $0xFFFFFF80  }
0x35: {  	_ =	swait.ge [sflag:s14], $0x80  }
0x36: {  	[sflag:s14] =	ssyncset.done $0x0  }
0x37: {  	[sflag:s14] =	ssyncadd.s32 $0xFFFFFF80  }
0x38: {  	_ =	swait.ge [sflag:s14], $0x80  }
0x39: {  	[sflag:s14] =	ssyncset.done $0x0  }
0x3a: {  	[sflag:s14] =	ssyncadd.s32 $0xFFFFFF80  }
0x3b: {  	_ =	swait.ge [sflag:s14], $0x80  }
0x3c: {  	[sflag:s14] =	ssyncset.done $0x0  }
0x3d: {  	[sflag:s14] =	ssyncadd.s32 $0xFFFFFF80  }
0x3e: {  	_ =	swait.ge [sflag:s14], $0x80  }
0x3f: {  	[sflag:s14] =	ssyncset.done $0x0  }
0x40: {  	[sflag:s14] =	ssyncadd.s32 $0xFFFFFF80  }
0x41: {  	_ =	swait.ge [sflag:s14], $0x80  }
0x42: {  	[sflag:s14] =	ssyncset.done $0x0  }
0x43: {  	[sflag:s14] =	ssyncadd.s32 $0xFFFFFF80  }
0x44: {  	_ =	swait.ge [sflag:s14], $0x80  }
0x45: {  	s18 =	simm.s32 $0x2000;
	s16 =	simm.s32 $0x1000;
	[sflag:s14] =	ssyncset.done $0x0  }
.LBB2_2:
0x46: {  	s19 =	sshra.s32 s16, $0x2  }
0x47: {  	[sflag:s14] =	ssyncadd.s32 $0xFFFFFF80;
	s16 =	smov.u32 s18;
	s17 =	sadd.s32 $0x1000, s18  }
0x48: {  	[spmem:s2] =	stream.indirect.scatter.add.f32 [tilespmem:s11], [sflag:$0x1], $0x1, s19, s13, $0xb8;
	[tilespmem:$0x2D78] =	vst v63  }
0x49: {  	p0 =	sne.s32 s18, $0x9000;
	s18 =	sadd.s32 $0x80, s19  }
0x4a: {  	[spmem:s2] =	stream.indirect.scatter.add.f32 [tilespmem:s11], [sflag:$0x1], $0x1, s18, s13, $0xb8;
	[tilespmem:$0x2D78] =	vst v63  }
0x4b: {  	s18 =	sadd.s32 $0x100, s19  }
0x4c: {  	[spmem:s2] =	stream.indirect.scatter.add.f32 [tilespmem:s11], [sflag:$0x1], $0x1, s18, s13, $0xb8;
	[tilespmem:$0x2D78] =	vst v63  }
0x4d: {  	s18 =	sadd.s32 $0x180, s19  }
0x4e: {  	[spmem:s2] =	stream.indirect.scatter.add.f32 [tilespmem:s11], [sflag:$0x1], $0x1, s18, s13, $0xb8;
	[tilespmem:$0x2D78] =	vst v63  }
0x4f: {  	s18 =	sadd.s32 $0x200, s19  }
0x50: {  	[spmem:s2] =	stream.indirect.scatter.add.f32 [tilespmem:s11], [sflag:$0x1], $0x1, s18, s13, $0xb8;
	[tilespmem:$0x2D78] =	vst v63  }
0x51: {  	s18 =	sadd.s32 $0x280, s19  }
0x52: {  	[spmem:s2] =	stream.indirect.scatter.add.f32 [tilespmem:s11], [sflag:$0x1], $0x1, s18, s13, $0xb8;
	[tilespmem:$0x2D78] =	vst v63  }
0x53: {  	s18 =	sadd.s32 $0x300, s19  }
0x54: {  	[spmem:s2] =	stream.indirect.scatter.add.f32 [tilespmem:s11], [sflag:$0x1], $0x1, s18, s13, $0xb8;
	[tilespmem:$0x2D78] =	vst v63  }
0x55: {  	s18 =	sadd.s32 $0x380, s19  }
0x56: {  	[spmem:s2] =	stream.indirect.scatter.add.f32 [tilespmem:s11], [sflag:$0x1], $0x1, s18, s13, $0xb8;
	[tilespmem:$0x2D78] =	vst v63  }
0x57: {  	_ =	swait.ge [sflag:s14], $0x80  }
0x58: {  	[sflag:s14] =	ssyncset.done $0x0  }
0x59: {  	[sflag:s14] =	ssyncadd.s32 $0xFFFFFF80  }
0x5a: {  	_ =	swait.ge [sflag:s14], $0x80  }
0x5b: {  	[sflag:s14] =	ssyncset.done $0x0  }
0x5c: {  	[sflag:s14] =	ssyncadd.s32 $0xFFFFFF80  }
0x5d: {  	_ =	swait.ge [sflag:s14], $0x80  }
0x5e: {  	[sflag:s14] =	ssyncset.done $0x0  }
0x5f: {  	[sflag:s14] =	ssyncadd.s32 $0xFFFFFF80  }
0x60: {  	_ =	swait.ge [sflag:s14], $0x80  }
0x61: {  	[sflag:s14] =	ssyncset.done $0x0  }
0x62: {  	[sflag:s14] =	ssyncadd.s32 $0xFFFFFF80  }
0x63: {  	_ =	swait.ge [sflag:s14], $0x80  }
0x64: {  	[sflag:s14] =	ssyncset.done $0x0  }
0x65: {  	[sflag:s14] =	ssyncadd.s32 $0xFFFFFF80  }
0x66: {  	_ =	swait.ge [sflag:s14], $0x80  }
0x67: {  	[sflag:s14] =	ssyncset.done $0x0  }
0x68: {  	[sflag:s14] =	ssyncadd.s32 $0xFFFFFF80  }
.Ltmp0:
0x69: {  	_ =	swait.ge [sflag:s14], $0x80;
	(pc) =	sbr.rel @p0 .LBB2_2-.Ltmp0, $4  }
0x6a: {  	[sflag:s14] =	ssyncset.done $0x0  }
0x6b: {  	[sflag:s14] =	ssyncadd.s32 $0xFFFFFF80  }
0x6c: {  	_ =	swait.ge [sflag:s14], $0x80  }
0x6d: {  	s18 =	smov.u32 s17;
	[sflag:s14] =	ssyncset.done $0x0  }
0x6e: {  	s16 =	sshra.s32 s16, $0x2;
	[sflag:s14] =	ssyncadd.s32 $0xFFFFFF80  }
0x6f: {  	[spmem:s2] =	stream.indirect.scatter.add.f32 [tilespmem:s11], [sflag:$0x1], $0x1, s16, s13, $0xb8;
	[tilespmem:$0x2D78] =	vst v63  }
0x70: {  	s17 =	sadd.s32 $0x80, s16  }
0x71: {  	[spmem:s2] =	stream.indirect.scatter.add.f32 [tilespmem:s11], [sflag:$0x1], $0x1, s17, s13, $0xb8;
	[tilespmem:$0x2D78] =	vst v63  }
0x72: {  	s26 =	sadd.s32 $0x100, s16  }
0x73: {  	[spmem:s2] =	stream.indirect.scatter.add.f32 [tilespmem:s11], [sflag:$0x1], $0x1, s26, s13, $0xb8;
	[tilespmem:$0x2D78] =	vst v63  }
0x74: {  	s28 =	sadd.s32 $0x180, s16  }
0x75: {  	[spmem:s2] =	stream.indirect.scatter.add.f32 [tilespmem:s11], [sflag:$0x1], $0x1, s28, s13, $0xb8;
	[tilespmem:$0x2D78] =	vst v63  }
0x76: {  	s29 =	sadd.s32 $0x200, s16  }
0x77: {  	[spmem:s2] =	stream.indirect.scatter.add.f32 [tilespmem:s11], [sflag:$0x1], $0x1, s29, s13, $0xb8;
	[tilespmem:$0x2D78] =	vst v63  }
0x78: {  	s30 =	sadd.s32 $0x280, s16  }
0x79: {  	[spmem:s2] =	stream.indirect.scatter.add.f32 [tilespmem:s11], [sflag:$0x1], $0x1, s30, s13, $0xb8;
	[tilespmem:$0x2D78] =	vst v63  }
0x7a: {  	s31 =	sadd.s32 $0x300, s16  }
0x7b: {  	[spmem:s2] =	stream.indirect.scatter.add.f32 [tilespmem:s11], [sflag:$0x1], $0x1, s31, s13, $0xb8;
	[tilespmem:$0x2D78] =	vst v63  }
0x7c: {  	s16 =	sadd.s32 $0x380, s16  }
0x7d: {  	[spmem:s2] =	stream.indirect.scatter.add.f32 [tilespmem:s11], [sflag:$0x1], $0x1, s16, s13, $0xb8;
	[tilespmem:$0x2D78] =	vst v63  }
0x7e: {  	_ =	swait.ge [sflag:s14], $0x80  }
0x7f: {  	[sflag:s14] =	ssyncset.done $0x0  }
0x80: {  	[sflag:s14] =	ssyncadd.s32 $0xFFFFFF80  }
0x81: {  	_ =	swait.ge [sflag:s14], $0x80  }
0x82: {  	[sflag:s14] =	ssyncset.done $0x0  }
0x83: {  	[sflag:s14] =	ssyncadd.s32 $0xFFFFFF80  }
0x84: {  	_ =	swait.ge [sflag:s14], $0x80  }
0x85: {  	[sflag:s14] =	ssyncset.done $0x0  }
0x86: {  	[sflag:s14] =	ssyncadd.s32 $0xFFFFFF80  }
0x87: {  	_ =	swait.ge [sflag:s14], $0x80  }
0x88: {  	[sflag:s14] =	ssyncset.done $0x0  }
0x89: {  	[sflag:s14] =	ssyncadd.s32 $0xFFFFFF80  }
0x8a: {  	_ =	swait.ge [sflag:s14], $0x80  }
0x8b: {  	[sflag:s14] =	ssyncset.done $0x0  }
0x8c: {  	[sflag:s14] =	ssyncadd.s32 $0xFFFFFF80  }
0x8d: {  	_ =	swait.ge [sflag:s14], $0x80  }
0x8e: {  	[sflag:s14] =	ssyncset.done $0x0  }
0x8f: {  	[sflag:s14] =	ssyncadd.s32 $0xFFFFFF80  }
0x90: {  	_ =	swait.ge [sflag:s14], $0x80  }
0x91: {  	[sflag:s14] =	ssyncset.done $0x0  }
0x92: {  	[sflag:s14] =	ssyncadd.s32 $0xFFFFFF80  }
0x93: {  	_ =	swait.ge [sflag:s14], $0x80  }
0x94: {  	[sflag:s14] =	ssyncset.done $0x0  }
0x95: {  	[sflag:s14] =	ssyncadd.s32 $0xFFFFFF80  }
0x96: {  	[bflag:$0x0] =	sbarrier.arrive $0xFFFF  }
0x97: {  	[tilespmem:s12], [sflag:$0x2] =	stream.linear.gather [spmem:s7], $0x278, $0x38;
	[tilespmem:$0x2D78] =	vst v63  }
0x98: {  	s15 =	sadd.s32 $0x1, s15;
	_ =	swait.ge [sflag:s10], $0x278  }
0x99: {  	p0 =	sne.s32 s15, s8;
	[sflag:s10] =	ssyncset.done $0x0  }
.Ltmp1:
0x9a: {  	[sflag:s10] =	ssyncadd.s32 $0xFFFFFD88;
	(pc) =	sbr.rel @p0 .LBB2_1-.Ltmp1, $4  }
0x9b: {  	[hbm4b:s9+s3] =	stream.linear.scatter [tilespmem:s12], [sflag:$0x2], $0x278, $0x38;
	[tilespmem:$0x2D78] =	vst v63  }
0x9c: {  	_ =	swait.ge [sflag:s10], $0x278  }
0x9d: {  	[sflag:s10] =	ssyncset.done $0x0  }
0x9e: {  	[sflag:s10] =	ssyncadd.s32 $0xFFFFFD88  }
0x9f: {  	_ =	sfence.sel $0x180000  }
0xa0: {  	[bflag:$0x0] =	sbarrier.arrive $0xFFFF  }
0xa1: {  	p0 =	sne.s32 s1, $0x0;
	_ =	strace $0x90000047  }
0xa2: {  	s0 =	sadd.s32 @!p0 $0x100000, s0;
	[bflag:$0x2] =	sbarrier.arrive $0xFFFF  }
0xa3: {  	[sflag:s0] =	ssyncadd.tile.s32 @!p0 $0x1;
	_ =	shalt  }
.Lfunc_end2:
_tile_overlayer_lowered:
.L_overlay_start_2:
0xa4: {  	(tag) =	ssettag $0x2  }
0xa5: {  	s0 =	rddreg [dreg:$0x0];
	s2 =	stileid.u32  }
0xa6: {  	s1 =	rddreg [dreg:$0x1];
	p0 =	sne.s32 s2, $0x0  }
0xa7: {  	s3 =	rddreg [dreg:$0x2];
	[bflag:$0x3] =	sbarrier.arrive $0xFFFF;
	s2 =	simm.s32 @!p0 $0x1C02  }
0xa8: {  	[timem:s3], [sflag:s2] =	dma.local @!p0 [hbm:s0], s1  }
0xa9: {  	s0 =	simm.s32 @!p0 $0x2  }
0xaa: {  	_ =	swait.ge @!p0 [sflag:s0], s1  }
0xab: {  	s1 =	ssub.s32 @!p0 $0x0, s1;
	[sflag:s0] =	ssyncset.done @!p0 $0x0  }
0xac: {  	[sflag:s0] =	ssyncadd.s32 @!p0 s1  }
0xad: {  	[bflag:$0x3] =	sbarrier.arrive $0xFFFF  }
0xae: {  	_ =	shalt  }

// kernel: kernel.9.cloned.1.call-start
scs
__scs_entry_jumppad:
0x0: {  	(pc) =	sbr.rel $0x88, $3  }
0x1: {  	(tag) =	ssettag $0x0;
	lr =	simm.s32 $0x1  }
0x2: {  	[smem:$0x3F9B] =	sst lr;
	_ =	strace $0xD0000000  }
0x3: {  	_ = 	snop  }
0x4: {  	_ = 	snop  }
0x5: {  	_ = 	snop  }
0x6: {  	_ = 	snop  }
0x7: {  	_ = 	snop  }
__scs_overlays_trampoline_lowered:
0x8: {  	[smem:$0x3FAA] =	sst s0  }
0x9: {  	[smem:$0x3FAB] =	sst s1  }
0xa: {  	[smem:$0x3FAC] =	sst s2  }
0xb: {  	[smem:$0x3FAD] =	sst s3  }
0xc: {  	[smem:$0x3FAE] =	sst s4  }
0xd: {  	[smem:$0x3FAF] =	sst s5  }
0xe: {  	[smem:$0x3FB0] =	sst s6  }
0xf: {  	[smem:$0x3FB1] =	sst s7  }
0x10: {  	[smem:$0x3FB2] =	sst s8  }
0x11: {  	[smem:$0x3FB3] =	sst s9;
	s0 =	simm.s32 @!p0 $0x0  }
0x12: {  	s1 =	sld [smem:$0x3F99];
	s0 =	simm.s32 @p0 $0x1  }
0x13: {  	[smem:$0x3FB4] =	sst s0;
	s0 =	simm.s32 @!p1 $0x0  }
0x14: {  	s2 =	sld [smem:$0x3F98];
	s0 =	simm.s32 @p1 $0x1  }
0x15: {  	[smem:$0x3FB5] =	sst s0;
	s0 =	simm.s32 @!p2 $0x0  }
0x16: {  	s3 =	sld [smem:$0x3FDB];
	s0 =	simm.s32 @p2 $0x1  }
0x17: {  	s4 =	simm.s32 $0x1BF5;
	[smem:$0x3FB7] =	sst s0  }
0x18: {  	s0 =	sld [smem:$0x3F9A];
	_ =	swait.ge [sflag:s4], $0x0  }
0x19: {  	s7 =	sld [smem:$0x3F9B]  }
0x1a: {  	s8 =	sadd.s32 $0xFFFFE003, lr  }
0x1b: {  	s9 =	sadd.s32 $0xFFFFFEF7, lr;
	s5 =	simm.s32 $0xFFFFFFFF;
	p2 =	slt.u32 s8, $0xFFFFF086  }
0x1c: {  	p1 =	slt.u32 s9, $0xF7A;
	s5 =	simm.s32 @!p2 $0x0  }
0x1d: {  	s5 =	simm.s32 @p1 $0x1;
	p0 =	seq.s32 s7, s2  }
0x1e: {  	s7 =	smul.u32 @!p0 $0xF7A, s2;
	p2 =	seq.s32 @!p0 s5, $0x0  }
0x1f: {  	s9 =	smul.u32 $0xF7A, s1;
	s8 =	simm.s32 @!p0 $0x1BF5;
	p2 =	por !p2, p0  }
0x20: {  	[sflag:s8] =	ssyncset.s32 @!p0 $0xFFFFF086;
	s6 =	sadd.s32 @!p0 s3, s7;
	s7 =	simm.s32 @!p0 $0x108  }
0x21: {  	s3 =	sadd.s32 s3, s9;
	s6 =	sadd.s32 @!p0 $0x88, s6;
	s7 =	simm.s32 @p2 $0x1082  }
0x22: {  	[simem:s7], [sflag:s8] =	dma.local @!p0 [hbm:s6], $0xF7A  }
0x23: {  	s9 =	sor.u32 $0xD0000000, s2;
	s6 =	simm.s32 $0x108;
	_ =	swait.ge @!p0 [sflag:s8], $0x0  }
0x24: {  	s3 =	sadd.s32 $0x88, s3;
	s6 =	simm.s32 @!p1 $0x1082;
	[sflag:s4] =	ssyncset.s32 $0xFFFFF086  }
0x25: {  	[simem:s6], [sflag:s4] =	dma.local [hbm:s3], $0xF7A  }
0x26: {  	[smem:$0x3F9B] =	sst s1;
	(tag) =	ssettag s2;
	_ =	strace s9  }
0x27: {  	s1 =	sld [smem:$0x3FAB]  }
0x28: {  	s2 =	sld [smem:$0x3FAC]  }
0x29: {  	s4 =	sld [smem:$0x3FAE]  }
0x2a: {  	p0 =	seq.s32 s5, $0x0;
	s5 =	sld [smem:$0x3FAF]  }
0x2b: {  	s6 =	sld [smem:$0x3FB0]  }
0x2c: {  	s7 =	sld [smem:$0x3FB1]  }
0x2d: {  	s3 =	simm.s32 $0x108;
	s8 =	sld [smem:$0x3FB2]  }
0x2e: {  	s3 =	simm.s32 @!p0 $0x1082;
	s9 =	sld [smem:$0x3FB3]  }
0x2f: {  	lr =	sadd.s32 s0, s3;
	s0 =	sld [smem:$0x3FAA]  }
0x30: {  	s3 =	sld [smem:$0x3FAD]  }
0x31: {  	[smem:$0x3FB6] =	sst s10  }
0x32: {  	s10 =	sld [smem:$0x3FB4];
	_ =	sdelay $0x3  }
0x33: {  	p0 =	seq.s32 s10, $0x1;
	s10 =	sld [smem:$0x3FB6];
	_ =	sdelay $0x3  }
0x34: {  	[smem:$0x3FB6] =	sst s10  }
0x35: {  	s10 =	sld [smem:$0x3FB5];
	_ =	sdelay $0x3  }
0x36: {  	p1 =	seq.s32 s10, $0x1;
	s10 =	sld [smem:$0x3FB6];
	_ =	sdelay $0x3  }
0x37: {  	[smem:$0x3FB6] =	sst s10  }
0x38: {  	s10 =	sld [smem:$0x3FB7]  }
0x39: {  	_ = 	snop;
	(pc) =	sbr.ind lr, $3  }
0x3a: {  	_ = 	snop  }
0x3b: {  	_ = 	snop  }
0x3c: {  	p2 =	seq.s32 s10, $0x1;
	s10 =	sld [smem:$0x3FB6]  }
0x3d: {  	_ =	shalt  }
0x3e: {  	_ =	shalt  }
0x3f: {  	_ =	shalt  }
0x40: {  	_ =	shalt  }
0x41: {  	_ =	shalt  }
0x42: {  	_ =	shalt  }
0x43: {  	_ =	shalt  }
0x44: {  	_ =	shalt  }
0x45: {  	_ =	shalt  }
0x46: {  	_ =	shalt  }
0x47: {  	_ =	shalt  }
0x48: {  	_ =	shalt  }
0x49: {  	_ =	shalt  }
0x4a: {  	_ =	shalt  }
0x4b: {  	_ =	shalt  }
0x4c: {  	_ =	shalt  }
0x4d: {  	_ =	shalt  }
0x4e: {  	_ =	shalt  }
0x4f: {  	_ =	shalt  }
0x50: {  	_ =	shalt  }
0x51: {  	_ =	shalt  }
0x52: {  	_ =	shalt  }
0x53: {  	_ =	shalt  }
0x54: {  	_ =	shalt  }
0x55: {  	_ =	shalt  }
0x56: {  	_ =	shalt  }
0x57: {  	_ =	shalt  }
0x58: {  	_ =	shalt  }
0x59: {  	_ =	shalt  }
0x5a: {  	_ =	shalt  }
0x5b: {  	_ =	shalt  }
0x5c: {  	_ =	shalt  }
0x5d: {  	_ =	shalt  }
0x5e: {  	_ =	shalt  }
0x5f: {  	_ =	shalt  }
0x60: {  	_ =	shalt  }
0x61: {  	_ =	shalt  }
0x62: {  	_ =	shalt  }
0x63: {  	_ =	shalt  }
0x64: {  	_ =	shalt  }
0x65: {  	_ =	shalt  }
0x66: {  	_ =	shalt  }
0x67: {  	_ =	shalt  }
0x68: {  	_ =	shalt  }
0x69: {  	_ =	shalt  }
0x6a: {  	_ =	shalt  }
0x6b: {  	_ =	shalt  }
0x6c: {  	_ =	shalt  }
0x6d: {  	_ =	shalt  }
0x6e: {  	_ =	shalt  }
0x6f: {  	_ =	shalt  }
0x70: {  	_ =	shalt  }
0x71: {  	_ =	shalt  }
0x72: {  	_ =	shalt  }
0x73: {  	_ =	shalt  }
0x74: {  	_ =	shalt  }
0x75: {  	_ =	shalt  }
0x76: {  	_ =	shalt  }
0x77: {  	_ =	shalt  }
0x78: {  	_ =	shalt  }
0x79: {  	_ =	shalt  }
0x7a: {  	_ =	shalt  }
0x7b: {  	_ =	shalt  }
0x7c: {  	_ =	shalt  }
0x7d: {  	_ =	shalt  }
0x7e: {  	_ =	shalt  }
0x7f: {  	_ =	shalt  }
0x80: {  	_ =	shalt  }
0x81: {  	_ =	shalt  }
0x82: {  	_ =	shalt  }
0x83: {  	_ =	shalt  }
0x84: {  	_ =	shalt  }
0x85: {  	_ =	shalt  }
0x86: {  	_ =	shalt  }
0x87: {  	_ =	shalt  }
.Lfunc_end0:
.L_simem_size_0:
called_computation.1_lowered:
.L_overlay_start_0:
0x88: {  	s2 =	sld [smem:$0x3FD9]  }
0x89: {  	s3 =	sld [smem:$0x3FFE];
	_ =	sdelay $0x1  }
0x8a: {  	s1 =	srdreg.scid  }
0x8b: {  	s0 =	sand.u32 $0x1, s1  }
0x8c: {  	s17 =	sshll.u32 s0, $0xA;
	s2 =	sadd.s32 s3, s2  }
0x8d: {  	s2 =	sadd.s32 s2, s17  }
0x8e: {  	[smem:$0x3FC2] =	sst s2  }
0x8f: {  	_ = 	snop  }
0x90: {  	s2 =	sld [smem:$0x3FD0];
	(tm) =	ssettm $0x1  }
0x91: {  	s18 =	sld [smem:$0x3FFB];
	_ =	sdelay $0x3  }
0x92: {  	_ =	strace s18  }
0x93: {  	s3 =	sld [smem:$0x3FFC];
	_ =	sdelay $0x3  }
0x94: {  	_ =	strace s3  }
0x95: {  	s3 =	sld [smem:$0x3FFD];
	_ =	sdelay $0x3  }
0x96: {  	_ =	strace s3  }
0x97: {  	_ =	strace $0x8FFFFFFF  }
0x98: {  	s19 =	sld [smem:$0x3FDB];
	_ =	sdelay $0x1  }
0x99: {  	s4 =	simm.s32 $_scs_section_size  }
0x9a: {  	s5 =	simm.s32 $_size__tile_overlayer_lowered;
	s6 =	simm.s32 $_tile_overlayer_lowered  }
0x9b: {  	s22 =	simm.s32 $0x1BFF;
	s21 =	sshll.u32 s6, $0x1;
	s3 =	sadd.s32 s4, s19  }
0x9c: {  	s7 =	simm.s32 $0x0;
	s20 =	sshll.u32 s5, $0x1;
	s5 =	sadd.s32 s21, s3  }
0x9d: {  	[timem:s7], [sflag:s22] =	dma.local [hbm:s5], s20  }
0x9e: {  	_ =	swait.ge [sflag:s22], s20  }
0x9f: {  	s4 =	ssub.s32 $0x0, s20;
	[sflag:s22] =	ssyncset.done $0x0  }
0xa0: {  	[sflag:s22] =	ssyncadd.s32 s4;
	_ =	sdelay $0x1  }
0xa1: {  	s23 =	simm.s32 $0x1B8B  }
0xa2: {  	_ =	swait.ge [sflag:s23], $0x1  }
0xa3: {  	[sflag:s23] =	ssyncset.done $0x0  }
0xa4: {  	s25 =	simm.s32 $0x1B8E;
	s24 =	sld [smem:$0x3FFE];
	[sflag:s23] =	ssyncadd.s32 $0xFFFFFFFF  }
0xa5: {  	s26 =	simm.s32 $execute0_lowered;
	[smem:$0x3FD2] =	sst s25  }
0xa6: {  	s5 =	sshll.u32 s26, $0x1;
	_ =	strace $0x80000049;
	[dreg:$0x1] =	wrdreg $0xFFFFFFFF  }
0xa7: {  	s28 =	simm.s32 $_size_execute0_lowered;
	s3 =	sadd.s32 s3, s5;
	[dreg:$0x0] =	wrdreg $0x0  }
0xa8: {  	s5 =	sshll.u32 s28, $0x1;
	[dreg:$0x2] =	wrdreg s3  }
0xa9: {  	[dreg:$0x3] =	wrdreg s5  }
0xaa: {  	[dreg:$0x4] =	wrdreg $0xC0  }
0xab: {  	_ =	task [dreg:s7], $0x5FFFF  }
0xac: {  	[dreg:$0x1] =	wrdreg $0xFFFFFFFF  }
0xad: {  	[dreg:$0x0] =	wrdreg $0x60  }
0xae: {  	[dreg:$0x2] =	wrdreg s24  }
0xaf: {  	[dreg:$0x3] =	wrdreg s2  }
0xb0: {  	[dreg:$0x4] =	wrdreg $0xA8000  }
0xb1: {  	[dreg:$0x5] =	wrdreg $0x9  }
0xb2: {  	_ =	task.clear_ibuf [dreg:s7], $0x6FFFF;
	_ =	strace $0x90000049  }
0xb3: {  	s29 =	simm.s32 $0x9;
	_ =	strace $0x8000004B  }
0xb4: {  	_ =	swait.ge [sflag:s29], $0x1  }
0xb5: {  	[sflag:s29] =	ssyncadd.s32 $0xFFFFFFFF  }
0xb6: {  	_ =	strace $0x9000004B  }
0xb7: {  	_ =	sfence  }
0xb8: {  	s30 =	sld [smem:$0x0];
	_ =	sdelay $0x2  }
0xb9: {  	s31 =	sshll.u32 s1, $0xD;
	s1 =	sshrl.u32 s1, $0x2  }
0xba: {  	s3 =	sand.u32 $0x4000, s31;
	s1 =	sadd.s32 s1, s30  }
0xbb: {  	s0 =	sor.u32 s3, s0;
	s1 =	sshll.u32 s1, $0x11  }
0xbc: {  	s0 =	sor.u32 s1, s0  }
0xbd: {  	s0 =	sadd.s32 $0x8F2B, s0  }
0xbe: {  	[sflag:s0] =	ssyncadd.remote.s32 $0x1  }
0xbf: {  	_ =	sfence.sel $0xFFFF  }
0xc0: {  	[dreg:$0x0] =	wrdreg $0xFFFFFFFF;
	(pc) =	sbr.abs _section_cstart, $3  }
0xc1: {  	[dreg:$0x1] =	wrdreg $0xFFFFFFFF  }
0xc2: {  	_ =	task.clear_ibuf [dreg:s7], $0x2FFFF;
	_ =	strace $0x9FFFFFFF  }
0xc3: {  	(tm) =	ssettm $0x7FFFFFFF  }
tec
execute0_lowered:
.L_overlay_start_1:
0x0: {  	(tag) =	ssettag $0x1  }
0x1: {  	s7 =	rddreg [dreg:$0x0]  }
0x2: {  	s2 =	rddreg [dreg:$0x1]  }
0x3: {  	s3 =	rddreg [dreg:$0x2]  }
0x4: {  	s0 =	rddreg [dreg:$0x3];
	s1 =	stileid.u32  }
0x5: {  	s5 =	srdreg.scid;
	s4 =	simm.s32 $0x0;
	s15 =	simm.s32 $0x80  }
0x6: {  	s16 =	simm.s32 $0x2800;
	s17 =	simm.s32 $0x6800;
	s18 =	simm.s32 $0x1  }
0x7: {  	s19 =	simm.s32 $0x2;
	s20 =	simm.s32 $0x2600;
	s21 =	simm.s32 $0x1300  }
0x8: {  	s22 =	simm.s32 $0x2680;
	s23 =	simm.s32 $0x1380;
	s24 =	simm.s32 $0x2700  }
0x9: {  	s25 =	simm.s32 $0x2780;
	s8 =	smul.u32 $0x13C00, s1;
	s9 =	sand.u32 $0x1, s5  }
0xa: {  	[smem:$0x7FF] =	sst s4;
	s5 =	sadd.s32 $0x2200, s7;
	s12 =	smul.u32 $0x4F000, s1  }
0xb: {  	s6 =	sadd.s32 $0xC200, s7;
	s31 =	sshll.u32 s1, $0x6;
	s10 =	smul.u32 $0x13C000, s9  }
0xc: {  	_ =	strace $0x8000004A;
	s26 =	ssub.s32 $0x2, s9;
	s29 =	sshll.u32 s9, $0x4  }
0xd: {  	s11 =	sshrl.u32 s8, $0x3;
	s28 =	sshrl.u32 s26, $0x1;
	s9 =	sor.u32 s1, s29  }
0xe: {  	s30 =	sshrl.u32 s12, $0x2;
	s11 =	sadd.s32 s11, s7;
	s8 =	sadd.s32 s8, s10  }
0xf: {  	s14 =	ssub.s32 s26, s28;
	s12 =	sadd.s32 s30, s3;
	s8 =	sshrl.u32 s8, $0x3  }
0x10: {  	s9 =	smul.u32 $0x2800, s9;
	s12 =	sshrl.u32 s12, $0x3;
	s13 =	sadd.s32 s8, s7  }
0x11: {  	s7 =	sadd.s32 $0x33A00, s11;
	s8 =	sor.u32 $0x1C03, s31;
	s11 =	smax.u32 s14, $0x1  }
0x12: {  	s14 =	simm.s32 $0x1400;
	s10 =	sadd.s32 $0x5B200, s13;
	s13 =	simm.s32 $0x3  }
.LBB2_1:
0x13: {  	[spmem:s12], [sflag:s8] =	dma.local [hbm:s7], $0x2780  }
0x14: {  	_ =	swait.ge [sflag:s13], $0x2780  }
0x15: {  	[sflag:s13] =	ssyncset.done $0x0  }
0x16: {  	[sflag:s13] =	ssyncadd.s32 $0xFFFFD880  }
0x17: {  	p1 =	por $0x1, $0x1;
	s26 =	simm.s32 $0x0;
	[bflag:$0x0] =	sbarrier.arrive $0xFFFF  }
.LBB2_2:
0x18: {  	s26 =	sadd.s32 s9, s26  }
0x19: {  	s26 =	sshrl.u32 s26, $0x3  }
0x1a: {  	s29 =	simm.s32 $0x0;
	s28 =	sadd.s32 s5, s26  }
0x1b: {  	[tilespmem:s29], [sflag:$0x3] =	stream.linear.gather [hbm4b:s28+s29], $0x1400, $0x38;
	[tilespmem:$0x1E400] =	vst v63  }
0x1c: {  	_ =	swait.ge [sflag:s13], $0x1400  }
0x1d: {  	[sflag:s13] =	ssyncset.done $0x0  }
0x1e: {  	s26 =	sadd.s32 s2, s26;
	[sflag:s13] =	ssyncadd.s32 $0xFFFFEC00  }
0x1f: {  	[tilespmem:s14], [sflag:$0x3] =	stream.linear.gather [hbm4b:s26+s29], $0x1400, $0x38;
	[tilespmem:$0x1E400] =	vst v63  }
0x20: {  	_ =	swait.ge [sflag:s13], $0x1400  }
0x21: {  	[sflag:s13] =	ssyncset.done $0x0  }
0x22: {  	[sflag:s13] =	ssyncadd.s32 $0xFFFFEC00  }
0x23: {  	[tilespmem:s16], [sflag:$0x1] =	stream.indirect.gather [hbm4b:s6+s15], $0x80, s29, s15, $0xb8;
	[tilespmem:$0x1E400] =	vst v63  }
0x24: {  	_ = 	snop  }
0x25: {  	[tilespmem:s17], [sflag:$0x2] =	stream.indirect.gather [hbm4b:s6+s15], $0x80, s15, s15, $0xb8;
	[tilespmem:$0x1E400] =	vst v63  }
0x26: {  	_ =	swait.ge [sflag:s18], $0x4000  }
0x27: {  	[sflag:s18] =	ssyncset.done $0x0  }
0x28: {  	s29 =	simm.s32 $0x1400;
	[sflag:s18] =	ssyncadd.s32 $0xFFFFC000  }
0x29: {  	[spmem:s3] =	stream.indirect.scatter.add.f32 [tilespmem:s16], [sflag:$0x3], $0x80, s29, s15, $0xb8;
	[tilespmem:$0x1E400] =	vst v63  }
0x2a: {  	_ =	swait.ge [sflag:s13], $0x4000  }
0x2b: {  	[sflag:s13] =	ssyncset.done $0x0  }
0x2c: {  	[sflag:s13] =	ssyncadd.s32 $0xFFFFC000  }
0x2d: {  	_ =	swait.ge [sflag:s19], $0x4000  }
0x2e: {  	[sflag:s19] =	ssyncset.done $0x0  }
0x2f: {  	s30 =	simm.s32 $0x100;
	[sflag:s19] =	ssyncadd.s32 $0xFFFFC000  }
0x30: {  	[tilespmem:s16], [sflag:$0x1] =	stream.indirect.gather [hbm4b:s6+s15], $0x80, s30, s15, $0xb8;
	[tilespmem:$0x1E400] =	vst v63  }
0x31: {  	s31 =	simm.s32 $0x1480  }
0x32: {  	[spmem:s3] =	stream.indirect.scatter.add.f32 [tilespmem:s17], [sflag:$0x3], $0x80, s31, s15, $0xb8;
	[tilespmem:$0x1E400] =	vst v63  }
0x33: {  	_ =	swait.ge [sflag:s13], $0x4000  }
0x34: {  	p0 =	por p1, p1;
	[sflag:s13] =	ssyncset.done $0x0  }
0x35: {  	s28 =	simm.s32 $0x180;
	s26 =	simm.s32 $0x400;
	[sflag:s13] =	ssyncadd.s32 $0xFFFFC000  }
.LBB2_3:
0x36: {  	[tilespmem:s17], [sflag:$0x2] =	stream.indirect.gather [hbm4b:s6+s15], $0x80, s28, s15, $0xb8;
	[tilespmem:$0x1E400] =	vst v63  }
0x37: {  	s28 =	smov.u32 s26  }
0x38: {  	p1 =	sne.s32 s26, $0x4400;
	s26 =	sadd.s32 $0x400, s26;
	_ =	swait.ge [sflag:s18], $0x4000  }
0x39: {  	s28 =	sshra.s32 s28, $0x2;
	[sflag:s18] =	ssyncset.done $0x0  }
0x3a: {  	s29 =	sadd.s32 $0x1400, s28;
	[sflag:s18] =	ssyncadd.s32 $0xFFFFC000  }
0x3b: {  	[spmem:s3] =	stream.indirect.scatter.add.f32 [tilespmem:s16], [sflag:$0x3], $0x80, s29, s15, $0xb8;
	[tilespmem:$0x1E400] =	vst v63  }
0x3c: {  	_ =	swait.ge [sflag:s13], $0x4000  }
0x3d: {  	[sflag:s13] =	ssyncset.done $0x0  }
0x3e: {  	[sflag:s13] =	ssyncadd.s32 $0xFFFFC000  }
0x3f: {  	_ =	swait.ge [sflag:s19], $0x4000  }
0x40: {  	[sflag:s19] =	ssyncset.done $0x0  }
0x41: {  	s29 =	sadd.s32 $0x100, s28;
	[sflag:s19] =	ssyncadd.s32 $0xFFFFC000  }
0x42: {  	[tilespmem:s16], [sflag:$0x1] =	stream.indirect.gather [hbm4b:s6+s15], $0x80, s29, s15, $0xb8;
	[tilespmem:$0x1E400] =	vst v63  }
.Ltmp0:
0x43: {  	s29 =	sadd.s32 $0x1480, s28;
	(pc) =	sbr.rel @p1 .LBB2_3-.Ltmp0, $4  }
0x44: {  	[spmem:s3] =	stream.indirect.scatter.add.f32 [tilespmem:s17], [sflag:$0x3], $0x80, s29, s15, $0xb8;
	[tilespmem:$0x1E400] =	vst v63  }
0x45: {  	_ =	swait.ge [sflag:s13], $0x4000  }
0x46: {  	[sflag:s13] =	ssyncset.done $0x0  }
0x47: {  	s28 =	sadd.s32 $0x180, s28;
	[sflag:s13] =	ssyncadd.s32 $0xFFFFC000  }
0x48: {  	[tilespmem:s17], [sflag:$0x2] =	stream.indirect.gather [hbm4b:s6+s15], $0x80, s28, s15, $0xb8;
	[tilespmem:$0x1E400] =	vst v63  }
0x49: {  	_ =	swait.ge [sflag:s18], $0x4000  }
0x4a: {  	[sflag:s18] =	ssyncset.done $0x0  }
0x4b: {  	[sflag:s18] =	ssyncadd.s32 $0xFFFFC000  }
0x4c: {  	[spmem:s3] =	stream.indirect.scatter.add.f32 [tilespmem:s16], [sflag:$0x3], $0x80, s20, s15, $0xb8;
	[tilespmem:$0x1E400] =	vst v63  }
0x4d: {  	_ =	swait.ge [sflag:s13], $0x4000  }
0x4e: {  	[sflag:s13] =	ssyncset.done $0x0  }
0x4f: {  	[sflag:s13] =	ssyncadd.s32 $0xFFFFC000  }
0x50: {  	_ =	swait.ge [sflag:s19], $0x4000  }
0x51: {  	[sflag:s19] =	ssyncset.done $0x0  }
0x52: {  	[sflag:s19] =	ssyncadd.s32 $0xFFFFC000  }
0x53: {  	[tilespmem:s16], [sflag:$0x1] =	stream.indirect.gather [hbm4b:s6+s15], $0x80, s21, s15, $0xb8;
	[tilespmem:$0x1E400] =	vst v63  }
0x54: {  	_ = 	snop  }
0x55: {  	[spmem:s3] =	stream.indirect.scatter.add.f32 [tilespmem:s17], [sflag:$0x3], $0x80, s22, s15, $0xb8;
	[tilespmem:$0x1E400] =	vst v63  }
0x56: {  	_ =	swait.ge [sflag:s13], $0x4000  }
0x57: {  	[sflag:s13] =	ssyncset.done $0x0  }
0x58: {  	[sflag:s13] =	ssyncadd.s32 $0xFFFFC000  }
0x59: {  	[tilespmem:s17], [sflag:$0x2] =	stream.indirect.gather [hbm4b:s6+s15], $0x80, s23, s15, $0xb8;
	[tilespmem:$0x1E400] =	vst v63  }
0x5a: {  	_ =	swait.ge [sflag:s18], $0x4000  }
0x5b: {  	[sflag:s18] =	ssyncset.done $0x0  }
0x5c: {  	[sflag:s18] =	ssyncadd.s32 $0xFFFFC000  }
0x5d: {  	[spmem:s3] =	stream.indirect.scatter.add.f32 [tilespmem:s16], [sflag:$0x3], $0x80, s24, s15, $0xb8;
	[tilespmem:$0x1E400] =	vst v63  }
0x5e: {  	_ =	swait.ge [sflag:s13], $0x4000  }
0x5f: {  	[sflag:s13] =	ssyncset.done $0x0  }
0x60: {  	[sflag:s13] =	ssyncadd.s32 $0xFFFFC000  }
0x61: {  	_ =	swait.ge [sflag:s19], $0x4000  }
0x62: {  	[sflag:s19] =	ssyncset.done $0x0  }
0x63: {  	[sflag:s19] =	ssyncadd.s32 $0xFFFFC000  }
0x64: {  	[tilespmem:s16], [sflag:$0x1] =	stream.indirect.gather [hbm4b:s6+s15], $0x80, s23, s15, $0xb8;
	[tilespmem:$0x1E400] =	vst v63  }
0x65: {  	_ = 	snop  }
0x66: {  	[spmem:s3] =	stream.indirect.scatter.add.f32 [tilespmem:s17], [sflag:$0x3], $0x80, s25, s15, $0xb8;
	[tilespmem:$0x1E400] =	vst v63  }
0x67: {  	_ =	swait.ge [sflag:s13], $0x4000  }
0x68: {  	[sflag:s13] =	ssyncset.done $0x0  }
0x69: {  	[sflag:s13] =	ssyncadd.s32 $0xFFFFC000  }
0x6a: {  	[tilespmem:s17], [sflag:$0x2] =	stream.indirect.gather [hbm4b:s6+s15], $0x80, s23, s15, $0xb8;
	[tilespmem:$0x1E400] =	vst v63  }
0x6b: {  	_ =	swait.ge [sflag:s18], $0x4000  }
.Ltmp1:
0x6c: {  	[sflag:s18] =	ssyncset.done $0x0;
	(pc) =	sbr.rel @p0 .LBB2_2-.Ltmp1, $4  }
0x6d: {  	[sflag:s18] =	ssyncadd.s32 $0xFFFFC000  }
0x6e: {  	_ =	swait.ge [sflag:s19], $0x4000  }
0x6f: {  	[sflag:s19] =	ssyncset.done $0x0  }
0x70: {  	s26 =	simm.s32 $0x1400;
	p1 =	por $0x0, $0x0;
	[sflag:s19] =	ssyncadd.s32 $0xFFFFC000  }
0x71: {  	s4 =	sadd.s32 $0x1, s4  }
0x72: {  	p0 =	sne.s32 s4, s11  }
.Ltmp2:
0x73: {  	[bflag:$0x0] =	sbarrier.arrive $0xFFFF;
	(pc) =	sbr.rel @p0 .LBB2_1-.Ltmp2, $4  }
0x74: {  	[hbm:s10], [sflag:s8] =	dma.local [spmem:s12], $0x2780  }
0x75: {  	_ =	swait.ge [sflag:s13], $0x2780  }
0x76: {  	[sflag:s13] =	ssyncset.done $0x0  }
0x77: {  	[sflag:s13] =	ssyncadd.s32 $0xFFFFD880  }
0x78: {  	_ =	sfence.sel $0x180000  }
0x79: {  	[bflag:$0x0] =	sbarrier.arrive $0xFFFF  }
0x7a: {  	p0 =	sne.s32 s1, $0x0;
	_ =	strace $0x9000004A  }
0x7b: {  	s0 =	sadd.s32 @!p0 $0x100000, s0;
	[bflag:$0x2] =	sbarrier.arrive $0xFFFF  }
0x7c: {  	[sflag:s0] =	ssyncadd.tile.s32 @!p0 $0x1;
	_ =	shalt  }
.Lfunc_end2:
_tile_overlayer_lowered:
.L_overlay_start_2:
0x7d: {  	(tag) =	ssettag $0x2  }
0x7e: {  	s0 =	rddreg [dreg:$0x0];
	s2 =	stileid.u32  }
0x7f: {  	s1 =	rddreg [dreg:$0x1];
	p0 =	sne.s32 s2, $0x0  }
0x80: {  	s3 =	rddreg [dreg:$0x2];
	[bflag:$0x3] =	sbarrier.arrive $0xFFFF;
	s2 =	simm.s32 @!p0 $0x1C03  }
0x81: {  	[timem:s3], [sflag:s2] =	dma.local @!p0 [hbm:s0], s1  }
0x82: {  	s0 =	simm.s32 @!p0 $0x3  }
0x83: {  	_ =	swait.ge @!p0 [sflag:s0], s1  }
0x84: {  	s1 =	ssub.s32 @!p0 $0x0, s1;
	[sflag:s0] =	ssyncset.done @!p0 $0x0  }
0x85: {  	[sflag:s0] =	ssyncadd.s32 @!p0 s1  }
0x86: {  	[bflag:$0x3] =	sbarrier.arrive $0xFFFF  }
0x87: {  	_ =	shalt  }

</sc_bundles>
